<compile_context>
chip_gen: v7x
topology: tpu7x:2x2x1
jax: 0.10.2.dev20260603
libtpu: 0.0.44.dev20260713+nightly
codegen_flags: <defaults>
</compile_context>

<pallas_src>
import functools

import jax
import jax.numpy as jnp
from jax import lax
from jax.experimental import pallas as pl
from jax.experimental.pallas import tpu as pltpu
from jax.experimental.pallas import tpu_sc as plsc

H = 1024
W = 1024
LANES = 16
SUB = 8
SUBW = W // SUB
GRP = SUBW // LANES


def _bf16_round(v):
    u = lax.bitcast_convert_type(v, jnp.uint32)
    up = u + jnp.uint32(0x7FFF) + ((u >> jnp.uint32(16)) & jnp.uint32(1))
    up = up & jnp.uint32(0xFFFF0000)
    return lax.bitcast_convert_type(up, jnp.float32)


def _make_kernel():
    info = plsc.get_sparse_core_info()
    nc, ns = info.num_cores, info.num_subcores
    nw = nc * ns
    rows_per_w = H // nw

    mesh = plsc.VectorSubcoreMesh(core_axis_name="c", subcore_axis_name="s")

    @functools.partial(
        pl.kernel,
        mesh=mesh,
        out_type=jax.ShapeDtypeStruct((H, SUB, SUBW), jnp.float32),
        scratch_types=[
            pltpu.VMEM_SHARED((H * W,), jnp.float32),
            pltpu.VMEM((6, LANES), jnp.float32),
            pltpu.VMEM((2, SUB, SUBW), jnp.float32),
            pltpu.VMEM((2, 4 * SUB, SUBW), jnp.int32),
            pltpu.VMEM((2, 4 * SUB, SUBW), jnp.float32),
            pltpu.VMEM((2, SUB, SUBW), jnp.float32),
            pltpu.VMEM((2, SUB, SUBW), jnp.float32),
            pltpu.VMEM((2, SUB, SUBW), jnp.float32),
            pltpu.VMEM((SUB, SUBW), jnp.float32),
            pltpu.SemaphoreType.DMA,
            pltpu.SemaphoreType.DMA,
        ],
    )
    def spatial_tx(img_hbm, th_hbm, out_hbm, spm, th_v, xc_v, idx_v, cor_v,
                   fx_v, fy_v, va_v, orow_v, sem0, sem1):
        sems = (sem0, sem1)
        sid = lax.axis_index("s")
        wid = sid * nc + lax.axis_index("c")
        chunk = (H * W) // ns
        pltpu.sync_copy(img_hbm.at[pl.ds(sid * chunk, chunk)],
                        spm.at[pl.ds(sid * chunk, chunk)])
        plsc.subcore_barrier()
        pltpu.sync_copy(th_hbm, th_v)
        a00 = _bf16_round(th_v[0])
        a01 = _bf16_round(th_v[1])
        a02 = _bf16_round(th_v[2])
        a10 = _bf16_round(th_v[3])
        a11 = _bf16_round(th_v[4])
        a12 = _bf16_round(th_v[5])
        base_row = wid * rows_per_w
        lane = lax.iota(jnp.int32, LANES)

        def col_body(j, c1):
            def grp_body(k, c2):
                w0 = j * SUBW + k * LANES
                wv = jnp.full((LANES,), w0, dtype=jnp.int32) + lane
                xn = _bf16_round(wv.astype(jnp.float32) / 1023.0)
                sl = pl.ds(k * LANES, LANES)
                xc_v[0, j, sl] = a00 * xn
                xc_v[1, j, sl] = a10 * xn
                return c2

            return lax.fori_loop(0, GRP, grp_body, c1)

        lax.fori_loop(0, SUB, col_body, 0)

        def compute_idx(h, slot):
            yn = _bf16_round(
                jnp.full((LANES,), h, dtype=jnp.int32).astype(jnp.float32)
                / 1023.0)
            y0s = a01 * yn
            y1s = a11 * yn

            def idx_body(j, c1):
                def grp_body(k, c2):
                    sl = pl.ds(k * LANES, LANES)
                    xs = (xc_v[0, j, sl] + y0s + a02) * 1023.0
                    ys = (xc_v[1, j, sl] + y1s + a12) * 1023.0
                    x0 = jnp.clip(xs.astype(jnp.int32), 0, W - 2)
                    y0 = jnp.clip(ys.astype(jnp.int32), 0, H - 2)
                    fx = xs - x0.astype(jnp.float32)
                    fy = ys - y0.astype(jnp.float32)
                    ok = ((xs >= 0.0) & (xs < 1023.0)
                          & (ys >= 0.0) & (ys < 1023.0))
                    vf = jnp.where(ok, jnp.float32(1.0), jnp.float32(0.0))
                    b = y0 * W + x0
                    idx_v[slot, j, sl] = b
                    idx_v[slot, SUB + j, sl] = b + 1
                    idx_v[slot, 2 * SUB + j, sl] = b + W
                    idx_v[slot, 3 * SUB + j, sl] = b + W + 1
                    fx_v[slot, j, sl] = fx
                    fy_v[slot, j, sl] = fy
                    va_v[slot, j, sl] = vf
                    return c2

                return lax.fori_loop(0, GRP, grp_body, c1)

            lax.fori_loop(0, SUB, idx_body, 0)

        def issue(slot):
            pass

        def drain(slot):
            pass

        def blend_write(h, slot):
            def out_body(j, c1):
                def grp_body(k, c2):
                    sl = pl.ds(k * LANES, LANES)
                    ia = cor_v[slot, j, sl]
                    ic = cor_v[slot, SUB + j, sl]
                    ib = cor_v[slot, 2 * SUB + j, sl]
                    idd = cor_v[slot, 3 * SUB + j, sl]
                    fx = fx_v[slot, j, sl]
                    fy = fy_v[slot, j, sl]
                    vf = va_v[slot, j, sl]
                    gx = 1.0 - fx
                    gy = 1.0 - fy
                    top = gx * ia + fx * ic
                    bot = gx * ib + fx * idd
                    orow_v[j, sl] = vf * (gy * top + fy * bot)
                    return c2

                return lax.fori_loop(0, GRP, grp_body, c1)

            lax.fori_loop(0, SUB, out_body, 0)
            pltpu.sync_copy(orow_v, out_hbm.at[h])

        compute_idx(base_row, 0)
        issue(0)

        def ring_body(g, carry):
            r0 = base_row + 2 * g
            compute_idx(r0 + 1, 1)
            issue(1)
            drain(0)
            blend_write(r0, 0)
            compute_idx(r0 + 2, 0)
            issue(0)
            drain(1)
            blend_write(r0 + 1, 1)
            return carry

        lax.fori_loop(0, rows_per_w // 2, ring_body, 0)
        drain(0)

    return spatial_tx


_SPATIAL_TX = _make_kernel()


def kernel(input_fmap, theta, B):
    img = input_fmap.reshape(H * W)
    th = jnp.broadcast_to(theta.astype(jnp.float32).reshape(6, 1), (6, LANES))
    out = _SPATIAL_TX(img, th)
    return out.reshape(1, H, W, 1)

# --- scband reference (transcript-rebuilt; emitter-appended) ---
"""Pipeline reference for scband-spatial-transformer-affine-89026082111501 (READ-ONLY COPY).

The authoritative reference and input builder live on the scoring server;
editing this copy changes nothing except your own understanding.
"""

import jax, jax.numpy as jnp
import numpy as np

IMG_H, IMG_W = 1024, 1024
OUT_H, OUT_W = 1024, 1024


def _forward(input_fmap, theta):
    Bn, H, W, C = input_fmap.shape
    # theta (1,2,3,1) -> squeeze -> (2,3), matching the TF code path for B=1, C=1
    th = theta.reshape(2, 3).astype(jnp.float32)
    # base grid (normalized [0,1] coordinates), built as in __init__
    x = jnp.linspace(0.0, OUT_W - 1.0, OUT_W) / (OUT_W - 1.0)
    y = jnp.linspace(0.0, OUT_H - 1.0, OUT_H) / (OUT_H - 1.0)
    xt, yt = jnp.meshgrid(x, y)  # (OUT_H, OUT_W)
    grid = jnp.stack([xt, yt, jnp.ones_like(xt)], axis=-1)  # (OUT_H, OUT_W, 3)
    # batch_grids = theta @ [x; y; 1]
    bg = jnp.einsum('mk,hwk->hwm', th, grid)  # (OUT_H, OUT_W, 2)
    xs = (bg[..., 0] * (W - 1))[None, :, :]  # (1, OUT_H, OUT_W)
    ys = (bg[..., 1] * (H - 1))[None, :, :]
    # bilinear sampler
    x0 = jnp.floor(xs).astype(jnp.int32)
    x1 = x0 + 1
    y0 = jnp.floor(ys).astype(jnp.int32)
    y1 = y0 + 1
    x0c = jnp.clip(x0, 0, W - 1)
    x1c = jnp.clip(x1, 0, W - 1)
    y0c = jnp.clip(y0, 0, H - 1)
    y1c = jnp.clip(y1, 0, H - 1)
    b = jnp.zeros_like(x0c)
    Ia = input_fmap[b, y0c, x0c]  # (1, OUT_H, OUT_W, C)
    Ib = input_fmap[b, y1c, x0c]
    Ic = input_fmap[b, y0c, x1c]
    Id = input_fmap[b, y1c, x1c]
    x0f = x0c.astype(jnp.float32)
    x1f = x1c.astype(jnp.float32)
    y0f = y0c.astype(jnp.float32)
    y1f = y1c.astype(jnp.float32)
    wa = ((x1f - xs) * (y1f - ys))[..., None]
    wb = ((x1f - xs) * (ys - y0f))[..., None]
    wc = ((xs - x0f) * (y1f - ys))[..., None]
    wd = ((xs - x0f) * (ys - y0f))[..., None]
    return wa * Ia + wb * Ib + wc * Ic + wd * Id


def setup_inputs(seed: int = 0):
    key = jax.random.key(seed)
    k1, k2 = jax.random.split(key)
    input_fmap = jax.random.normal(k1, (1, IMG_H, IMG_W, 1), dtype=jnp.float32)
    theta = jax.random.normal(k2, (1, 2, 3, 1), dtype=jnp.float32)
    return {"input_fmap": input_fmap, "theta": theta, "B": 1}


def reference(input_fmap, theta, B):
    return _forward(input_fmap, theta)

if __name__ == "__main__":
    import jax
    _d = setup_inputs()
    print(jax.jit(kernel)(*tuple(_d.values())))

</pallas_src>

<mosaic_0001>
#map = affine_map<(d0, d1) -> (0)>
#map1 = affine_map<(d0, d1) -> (0, 0)>
#map2 = affine_map<(d0, d1) -> (0, 0, 0)>
module attributes {stable_mosaic.version = 14 : i64} {
  func.func @spatial_tx(%arg0: i32, %arg1: i32, %arg2: memref<1048576xf32, #tpu.memory_space<hbm>>, %arg3: memref<6x16xf32, #tpu.memory_space<hbm>>, %arg4: memref<1024x8x128xf32, #tpu.memory_space<hbm>>, %arg5: memref<1048576xf32, #tpu.memory_space<vmem_shared>>, %arg6: memref<6x16xf32, #tpu.memory_space<vmem>>, %arg7: memref<2x8x128xf32, #tpu.memory_space<vmem>>, %arg8: memref<2x32x128xi32, #tpu.memory_space<vmem>>, %arg9: memref<2x32x128xf32, #tpu.memory_space<vmem>>, %arg10: memref<2x8x128xf32, #tpu.memory_space<vmem>>, %arg11: memref<2x8x128xf32, #tpu.memory_space<vmem>>, %arg12: memref<2x8x128xf32, #tpu.memory_space<vmem>>, %arg13: memref<8x128xf32, #tpu.memory_space<vmem>>, %arg14: memref<!tpu.dma_semaphore, #tpu.memory_space<semaphore_mem>>, %arg15: memref<!tpu.dma_semaphore, #tpu.memory_space<semaphore_mem>>) attributes {dimension_semantics = [#tpu.dimension_semantics<core_parallel>, #tpu.dimension_semantics<subcore_parallel>], iteration_bounds = array<i64: 2, 16>, scalar_prefetch = 0 : i64, scratch_operands = 11 : i64, tpu.core_type = #tpu.core_type<sc_vector_subcore>, window_params = [{transform_indices = #map}, {transform_indices = #map1}, {transform_indices = #map2}]} {
    %mul3A = arith.constant 2 : i32
    %mul3A_0 = arith.muli %arg1, %mul3A : i32
    %add3A = arith.addi %mul3A_0, %arg0 : i32
    %mul3A_1 = arith.constant 65536 : i32
    %mul3A_2 = arith.muli %arg1, %mul3A_1 : i32
    %mul3A_3 = arith.constant 65536 : i32
    %mul3A_4 = arith.muli %arg1, %mul3A_3 : i32
    "tpu.region"() ({
      %run_scoped3A = tpu.sem_alloc : memref<!tpu.dma_semaphore, #tpu.memory_space<semaphore_mem>>
      %dma_start3A = tpu.memref_slice %arg5[%mul3A_4] : memref<1048576xf32, #tpu.memory_space<vmem_shared>> -> memref<65536xf32, #tpu.memory_space<vmem_shared>>
      %dma_start3A_159 = tpu.memref_slice %arg2[%mul3A_2] : memref<1048576xf32, #tpu.memory_space<hbm>> -> memref<65536xf32, #tpu.memory_space<hbm>>
      tpu.enqueue_dma source(%dma_start3A_159 : memref<65536xf32, #tpu.memory_space<hbm>>) target(%dma_start3A : memref<65536xf32, #tpu.memory_space<vmem_shared>>) target_semaphore(%run_scoped3A : memref<!tpu.dma_semaphore, #tpu.memory_space<semaphore_mem>>)
      %dma_wait3A = tpu.memref_slice %arg5[%mul3A_4] : memref<1048576xf32, #tpu.memory_space<vmem_shared>> -> memref<65536xf32, #tpu.memory_space<vmem_shared>>
      %dma_wait3A_160 = tpu.memref_slice %arg2[%mul3A_2] : memref<1048576xf32, #tpu.memory_space<hbm>> -> memref<65536xf32, #tpu.memory_space<hbm>>
      tpu.wait_dma2 semaphore(%run_scoped3A : memref<!tpu.dma_semaphore, #tpu.memory_space<semaphore_mem>>) src(%dma_wait3A_160 : memref<65536xf32, #tpu.memory_space<hbm>>) dst(%dma_wait3A : memref<65536xf32, #tpu.memory_space<vmem_shared>>)
      tpu.yield
    }) : () -> ()
    %barrier3A = arith.constant 0 : index
    tpu.barrier barrier_id(%barrier3A)
    "tpu.region"() ({
      %run_scoped3A = tpu.sem_alloc : memref<!tpu.dma_semaphore, #tpu.memory_space<semaphore_mem>>
      tpu.enqueue_dma source(%arg3 : memref<6x16xf32, #tpu.memory_space<hbm>>) target(%arg6 : memref<6x16xf32, #tpu.memory_space<vmem>>) target_semaphore(%run_scoped3A : memref<!tpu.dma_semaphore, #tpu.memory_space<semaphore_mem>>)
      tpu.wait_dma2 semaphore(%run_scoped3A : memref<!tpu.dma_semaphore, #tpu.memory_space<semaphore_mem>>) src(%arg3 : memref<6x16xf32, #tpu.memory_space<hbm>>) dst(%arg6 : memref<6x16xf32, #tpu.memory_space<vmem>>)
      tpu.yield
    }) : () -> ()
    %get3A = arith.constant 0 : i32
    %get3A_5 = arith.index_cast %get3A : i32 to index
    %get3A_6 = arith.constant 0 : index
    %get3A_7 = tpu.vector_load %arg6[%get3A_5, %get3A_6] {strides = array<i32>} : memref<6x16xf32, #tpu.memory_space<vmem>>, vector<1x16xf32>,
    %get3A_8 = vector.shape_cast %get3A_7 : vector<1x16xf32> to vector<16xf32>
    %bitcast_convert_type3A = tpu.bitcast %get3A_8 : vector<16xf32> -> vector<16xi32>
    %add3A_9 = arith.constant 32767 : i32
    %add3A_10 = vector.broadcast %add3A_9 : i32 to vector<16xi32>
    %add3A_11 = arith.addi %bitcast_convert_type3A, %add3A_10 : vector<16xi32>
    %shift_right_logical3A = arith.constant 16 : i32
    %shift_right_logical3A_12 = vector.broadcast %shift_right_logical3A : i32 to vector<16xi32>
    %shift_right_logical3A_13 = arith.shrui %bitcast_convert_type3A, %shift_right_logical3A_12 : vector<16xi32>
    %and3A = arith.constant 1 : i32
    %and3A_14 = vector.broadcast %and3A : i32 to vector<16xi32>
    %and3A_15 = arith.andi %shift_right_logical3A_13, %and3A_14 : vector<16xi32>
    %add3A_16 = arith.addi %add3A_11, %and3A_15 : vector<16xi32>
    %and3A_17 = arith.constant -65536 : i32
    %and3A_18 = vector.broadcast %and3A_17 : i32 to vector<16xi32>
    %and3A_19 = arith.andi %add3A_16, %and3A_18 : vector<16xi32>
    %bitcast_convert_type3A_20 = tpu.bitcast %and3A_19 : vector<16xi32> -> vector<16xf32>
    %get3A_21 = arith.constant 1 : i32
    %get3A_22 = arith.index_cast %get3A_21 : i32 to index
    %get3A_23 = arith.constant 0 : index
    %get3A_24 = tpu.vector_load %arg6[%get3A_22, %get3A_23] {strides = array<i32>} : memref<6x16xf32, #tpu.memory_space<vmem>>, vector<1x16xf32>,
    %get3A_25 = vector.shape_cast %get3A_24 : vector<1x16xf32> to vector<16xf32>
    %bitcast_convert_type3A_26 = tpu.bitcast %get3A_25 : vector<16xf32> -> vector<16xi32>
    %add3A_27 = arith.constant 32767 : i32
    %add3A_28 = vector.broadcast %add3A_27 : i32 to vector<16xi32>
    %add3A_29 = arith.addi %bitcast_convert_type3A_26, %add3A_28 : vector<16xi32>
    %shift_right_logical3A_30 = arith.constant 16 : i32
    %shift_right_logical3A_31 = vector.broadcast %shift_right_logical3A_30 : i32 to vector<16xi32>
    %shift_right_logical3A_32 = arith.shrui %bitcast_convert_type3A_26, %shift_right_logical3A_31 : vector<16xi32>
    %and3A_33 = arith.constant 1 : i32
    %and3A_34 = vector.broadcast %and3A_33 : i32 to vector<16xi32>
    %and3A_35 = arith.andi %shift_right_logical3A_32, %and3A_34 : vector<16xi32>
    %add3A_36 = arith.addi %add3A_29, %and3A_35 : vector<16xi32>
    %and3A_37 = arith.constant -65536 : i32
    %and3A_38 = vector.broadcast %and3A_37 : i32 to vector<16xi32>
    %and3A_39 = arith.andi %add3A_36, %and3A_38 : vector<16xi32>
    %bitcast_convert_type3A_40 = tpu.bitcast %and3A_39 : vector<16xi32> -> vector<16xf32>
    %get3A_41 = arith.constant 2 : i32
    %get3A_42 = arith.index_cast %get3A_41 : i32 to index
    %get3A_43 = arith.constant 0 : index
    %get3A_44 = tpu.vector_load %arg6[%get3A_42, %get3A_43] {strides = array<i32>} : memref<6x16xf32, #tpu.memory_space<vmem>>, vector<1x16xf32>,
    %get3A_45 = vector.shape_cast %get3A_44 : vector<1x16xf32> to vector<16xf32>
    %bitcast_convert_type3A_46 = tpu.bitcast %get3A_45 : vector<16xf32> -> vector<16xi32>
    %add3A_47 = arith.constant 32767 : i32
    %add3A_48 = vector.broadcast %add3A_47 : i32 to vector<16xi32>
    %add3A_49 = arith.addi %bitcast_convert_type3A_46, %add3A_48 : vector<16xi32>
    %shift_right_logical3A_50 = arith.constant 16 : i32
    %shift_right_logical3A_51 = vector.broadcast %shift_right_logical3A_50 : i32 to vector<16xi32>
    %shift_right_logical3A_52 = arith.shrui %bitcast_convert_type3A_46, %shift_right_logical3A_51 : vector<16xi32>
    %and3A_53 = arith.constant 1 : i32
    %and3A_54 = vector.broadcast %and3A_53 : i32 to vector<16xi32>
    %and3A_55 = arith.andi %shift_right_logical3A_52, %and3A_54 : vector<16xi32>
    %add3A_56 = arith.addi %add3A_49, %and3A_55 : vector<16xi32>
    %and3A_57 = arith.constant -65536 : i32
    %and3A_58 = vector.broadcast %and3A_57 : i32 to vector<16xi32>
    %and3A_59 = arith.andi %add3A_56, %and3A_58 : vector<16xi32>
    %bitcast_convert_type3A_60 = tpu.bitcast %and3A_59 : vector<16xi32> -> vector<16xf32>
    %get3A_61 = arith.constant 3 : i32
    %get3A_62 = arith.index_cast %get3A_61 : i32 to index
    %get3A_63 = arith.constant 0 : index
    %get3A_64 = tpu.vector_load %arg6[%get3A_62, %get3A_63] {strides = array<i32>} : memref<6x16xf32, #tpu.memory_space<vmem>>, vector<1x16xf32>,
    %get3A_65 = vector.shape_cast %get3A_64 : vector<1x16xf32> to vector<16xf32>
    %bitcast_convert_type3A_66 = tpu.bitcast %get3A_65 : vector<16xf32> -> vector<16xi32>
    %add3A_67 = arith.constant 32767 : i32
    %add3A_68 = vector.broadcast %add3A_67 : i32 to vector<16xi32>
    %add3A_69 = arith.addi %bitcast_convert_type3A_66, %add3A_68 : vector<16xi32>
    %shift_right_logical3A_70 = arith.constant 16 : i32
    %shift_right_logical3A_71 = vector.broadcast %shift_right_logical3A_70 : i32 to vector<16xi32>
    %shift_right_logical3A_72 = arith.shrui %bitcast_convert_type3A_66, %shift_right_logical3A_71 : vector<16xi32>
    %and3A_73 = arith.constant 1 : i32
    %and3A_74 = vector.broadcast %and3A_73 : i32 to vector<16xi32>
    %and3A_75 = arith.andi %shift_right_logical3A_72, %and3A_74 : vector<16xi32>
    %add3A_76 = arith.addi %add3A_69, %and3A_75 : vector<16xi32>
    %and3A_77 = arith.constant -65536 : i32
    %and3A_78 = vector.broadcast %and3A_77 : i32 to vector<16xi32>
    %and3A_79 = arith.andi %add3A_76, %and3A_78 : vector<16xi32>
    %bitcast_convert_type3A_80 = tpu.bitcast %and3A_79 : vector<16xi32> -> vector<16xf32>
    %get3A_81 = arith.constant 4 : i32
    %get3A_82 = arith.index_cast %get3A_81 : i32 to index
    %get3A_83 = arith.constant 0 : index
    %get3A_84 = tpu.vector_load %arg6[%get3A_82, %get3A_83] {strides = array<i32>} : memref<6x16xf32, #tpu.memory_space<vmem>>, vector<1x16xf32>,
    %get3A_85 = vector.shape_cast %get3A_84 : vector<1x16xf32> to vector<16xf32>
    %bitcast_convert_type3A_86 = tpu.bitcast %get3A_85 : vector<16xf32> -> vector<16xi32>
    %add3A_87 = arith.constant 32767 : i32
    %add3A_88 = vector.broadcast %add3A_87 : i32 to vector<16xi32>
    %add3A_89 = arith.addi %bitcast_convert_type3A_86, %add3A_88 : vector<16xi32>
    %shift_right_logical3A_90 = arith.constant 16 : i32
    %shift_right_logical3A_91 = vector.broadcast %shift_right_logical3A_90 : i32 to vector<16xi32>
    %shift_right_logical3A_92 = arith.shrui %bitcast_convert_type3A_86, %shift_right_logical3A_91 : vector<16xi32>
    %and3A_93 = arith.constant 1 : i32
    %and3A_94 = vector.broadcast %and3A_93 : i32 to vector<16xi32>
    %and3A_95 = arith.andi %shift_right_logical3A_92, %and3A_94 : vector<16xi32>
    %add3A_96 = arith.addi %add3A_89, %and3A_95 : vector<16xi32>
    %and3A_97 = arith.constant -65536 : i32
    %and3A_98 = vector.broadcast %and3A_97 : i32 to vector<16xi32>
    %and3A_99 = arith.andi %add3A_96, %and3A_98 : vector<16xi32>
    %bitcast_convert_type3A_100 = tpu.bitcast %and3A_99 : vector<16xi32> -> vector<16xf32>
    %get3A_101 = arith.constant 5 : i32
    %get3A_102 = arith.index_cast %get3A_101 : i32 to index
    %get3A_103 = arith.constant 0 : index
    %get3A_104 = tpu.vector_load %arg6[%get3A_102, %get3A_103] {strides = array<i32>} : memref<6x16xf32, #tpu.memory_space<vmem>>, vector<1x16xf32>,
    %get3A_105 = vector.shape_cast %get3A_104 : vector<1x16xf32> to vector<16xf32>
    %bitcast_convert_type3A_106 = tpu.bitcast %get3A_105 : vector<16xf32> -> vector<16xi32>
    %add3A_107 = arith.constant 32767 : i32
    %add3A_108 = vector.broadcast %add3A_107 : i32 to vector<16xi32>
    %add3A_109 = arith.addi %bitcast_convert_type3A_106, %add3A_108 : vector<16xi32>
    %shift_right_logical3A_110 = arith.constant 16 : i32
    %shift_right_logical3A_111 = vector.broadcast %shift_right_logical3A_110 : i32 to vector<16xi32>
    %shift_right_logical3A_112 = arith.shrui %bitcast_convert_type3A_106, %shift_right_logical3A_111 : vector<16xi32>
    %and3A_113 = arith.constant 1 : i32
    %and3A_114 = vector.broadcast %and3A_113 : i32 to vector<16xi32>
    %and3A_115 = arith.andi %shift_right_logical3A_112, %and3A_114 : vector<16xi32>
    %add3A_116 = arith.addi %add3A_109, %and3A_115 : vector<16xi32>
    %and3A_117 = arith.constant -65536 : i32
    %and3A_118 = vector.broadcast %and3A_117 : i32 to vector<16xi32>
    %and3A_119 = arith.andi %add3A_116, %and3A_118 : vector<16xi32>
    %bitcast_convert_type3A_120 = tpu.bitcast %and3A_119 : vector<16xi32> -> vector<16xf32>
    %mul3A_121 = arith.constant 32 : i32
    %mul3A_122 = arith.muli %add3A, %mul3A_121 : i32
    %iota3A = tpu.iota {dimensions = array<i32: 0>} : vector<16xi32>
    %scan3A = arith.constant 0 : i32
    %scan3A_123 = arith.constant 0 : i32
    %scan3A_124 = arith.constant 8 : i32
    %scan3A_125 = arith.addi %scan3A_123, %scan3A_124 : i32
    %scan3A_126 = arith.constant 1 : i32
    scf.for %scan3A_159 = %scan3A_123 to %scan3A_125 step %scan3A_126  : i32 {
      %scan3A_160 = arith.constant 0 : i32
      %scan3A_161 = arith.constant 8 : i32
      %scan3A_162 = arith.addi %scan3A_160, %scan3A_161 : i32
      %scan3A_163 = arith.constant 1 : i32
      scf.for %scan3A_165 = %scan3A_160 to %scan3A_162 step %scan3A_163  : i32 {
        %mul3A_166 = arith.constant 128 : i32
        %mul3A_167 = arith.muli %scan3A_159, %mul3A_166 : i32
        %mul3A_168 = arith.constant 16 : i32
        %mul3A_169 = arith.muli %scan3A_165, %mul3A_168 : i32
        %add3A_170 = arith.addi %mul3A_167, %mul3A_169 : i32
        %broadcast_in_dim3A_171 = vector.broadcast %add3A_170 : i32 to vector<16xi32>
        %add3A_172 = arith.addi %broadcast_in_dim3A_171, %iota3A : vector<16xi32>
        %convert_element_type3A_173 = arith.sitofp %add3A_172 : vector<16xi32> to vector<16xf32>
        %div3A_174 = arith.constant 1.023000e+03 : f32
        %div3A_175 = vector.broadcast %div3A_174 : f32 to vector<16xf32>
        %div3A_176 = arith.divf %convert_element_type3A_173, %div3A_175 : vector<16xf32>
        %bitcast_convert_type3A_177 = tpu.bitcast %div3A_176 : vector<16xf32> -> vector<16xi32>
        %add3A_178 = arith.constant 32767 : i32
        %add3A_179 = vector.broadcast %add3A_178 : i32 to vector<16xi32>
        %add3A_180 = arith.addi %bitcast_convert_type3A_177, %add3A_179 : vector<16xi32>
        %shift_right_logical3A_181 = arith.constant 16 : i32
        %shift_right_logical3A_182 = vector.broadcast %shift_right_logical3A_181 : i32 to vector<16xi32>
        %shift_right_logical3A_183 = arith.shrui %bitcast_convert_type3A_177, %shift_right_logical3A_182 : vector<16xi32>
        %and3A_184 = arith.constant 1 : i32
        %and3A_185 = vector.broadcast %and3A_184 : i32 to vector<16xi32>
        %and3A_186 = arith.andi %shift_right_logical3A_183, %and3A_185 : vector<16xi32>
        %add3A_187 = arith.addi %add3A_180, %and3A_186 : vector<16xi32>
        %and3A_188 = arith.constant -65536 : i32
        %and3A_189 = vector.broadcast %and3A_188 : i32 to vector<16xi32>
        %and3A_190 = arith.andi %add3A_187, %and3A_189 : vector<16xi32>
        %bitcast_convert_type3A_191 = tpu.bitcast %and3A_190 : vector<16xi32> -> vector<16xf32>
        %mul3A_192 = arith.constant 16 : i32
        %mul3A_193 = arith.muli %scan3A_165, %mul3A_192 : i32
        %mul3A_194 = arith.mulf %bitcast_convert_type3A_20, %bitcast_convert_type3A_191 : vector<16xf32>
        %swap3A = arith.constant 0 : i32
        %swap3A_195 = arith.index_cast %swap3A : i32 to index
        %swap3A_196 = arith.index_cast %scan3A_159 : i32 to index
        %swap3A_197 = arith.index_cast %mul3A_193 : i32 to index
        %swap3A_198 = tpu.vector_load %arg7[%swap3A_195, %swap3A_196, %swap3A_197] {strides = array<i32>} : memref<2x8x128xf32, #tpu.memory_space<vmem>>, vector<1x1x16xf32>,
        %swap3A_199 = vector.shape_cast %swap3A_198 : vector<1x1x16xf32> to vector<16xf32>
        %swap3A_200 = vector.shape_cast %mul3A_194 : vector<16xf32> to vector<1x1x16xf32>
        tpu.vector_store %arg7[%swap3A_195, %swap3A_196, %swap3A_197], %swap3A_200 {strides = array<i32>} : memref<2x8x128xf32, #tpu.memory_space<vmem>>, vector<1x1x16xf32>,
        %mul3A_201 = arith.mulf %bitcast_convert_type3A_80, %bitcast_convert_type3A_191 : vector<16xf32>
        %swap3A_202 = arith.constant 1 : i32
        %swap3A_203 = arith.index_cast %swap3A_202 : i32 to index
        %swap3A_204 = arith.index_cast %scan3A_159 : i32 to index
        %swap3A_205 = arith.index_cast %mul3A_193 : i32 to index
        %swap3A_206 = tpu.vector_load %arg7[%swap3A_203, %swap3A_204, %swap3A_205] {strides = array<i32>} : memref<2x8x128xf32, #tpu.memory_space<vmem>>, vector<1x1x16xf32>,
        %swap3A_207 = vector.shape_cast %swap3A_206 : vector<1x1x16xf32> to vector<16xf32>
        %swap3A_208 = vector.shape_cast %mul3A_201 : vector<16xf32> to vector<1x1x16xf32>
        tpu.vector_store %arg7[%swap3A_203, %swap3A_204, %swap3A_205], %swap3A_208 {strides = array<i32>} : memref<2x8x128xf32, #tpu.memory_space<vmem>>, vector<1x1x16xf32>,
      }
      %scan3A_164 = arith.constant 8 : i32
    }
    %scan3A_127 = arith.constant 8 : i32
    %broadcast_in_dim3A = vector.broadcast %mul3A_122 : i32 to vector<16xi32>
    %convert_element_type3A = arith.sitofp %broadcast_in_dim3A : vector<16xi32> to vector<16xf32>
    %div3A = arith.constant 1.023000e+03 : f32
    %div3A_128 = vector.broadcast %div3A : f32 to vector<16xf32>
    %div3A_129 = arith.divf %convert_element_type3A, %div3A_128 : vector<16xf32>
    %bitcast_convert_type3A_130 = tpu.bitcast %div3A_129 : vector<16xf32> -> vector<16xi32>
    %add3A_131 = arith.constant 32767 : i32
    %add3A_132 = vector.broadcast %add3A_131 : i32 to vector<16xi32>
    %add3A_133 = arith.addi %bitcast_convert_type3A_130, %add3A_132 : vector<16xi32>
    %shift_right_logical3A_134 = arith.constant 16 : i32
    %shift_right_logical3A_135 = vector.broadcast %shift_right_logical3A_134 : i32 to vector<16xi32>
    %shift_right_logical3A_136 = arith.shrui %bitcast_convert_type3A_130, %shift_right_logical3A_135 : vector<16xi32>
    %and3A_137 = arith.constant 1 : i32
    %and3A_138 = vector.broadcast %and3A_137 : i32 to vector<16xi32>
    %and3A_139 = arith.andi %shift_right_logical3A_136, %and3A_138 : vector<16xi32>
    %add3A_140 = arith.addi %add3A_133, %and3A_139 : vector<16xi32>
    %and3A_141 = arith.constant -65536 : i32
    %and3A_142 = vector.broadcast %and3A_141 : i32 to vector<16xi32>
    %and3A_143 = arith.andi %add3A_140, %and3A_142 : vector<16xi32>
    %bitcast_convert_type3A_144 = tpu.bitcast %and3A_143 : vector<16xi32> -> vector<16xf32>
    %mul3A_145 = arith.mulf %bitcast_convert_type3A_40, %bitcast_convert_type3A_144 : vector<16xf32>
    %mul3A_146 = arith.mulf %bitcast_convert_type3A_100, %bitcast_convert_type3A_144 : vector<16xf32>
    %scan3A_147 = arith.constant 0 : i32
    %scan3A_148 = arith.constant 0 : i32
    %scan3A_149 = arith.constant 8 : i32
    %scan3A_150 = arith.addi %scan3A_148, %scan3A_149 : i32
    %scan3A_151 = arith.constant 1 : i32
    scf.for %scan3A_159 = %scan3A_148 to %scan3A_150 step %scan3A_151  : i32 {
      %scan3A_160 = arith.constant 0 : i32
      %scan3A_161 = arith.constant 8 : i32
      %scan3A_162 = arith.addi %scan3A_160, %scan3A_161 : i32
      %scan3A_163 = arith.constant 1 : i32
      scf.for %scan3A_165 = %scan3A_160 to %scan3A_162 step %scan3A_163  : i32 {
        %mul3A_166 = arith.constant 16 : i32
        %mul3A_167 = arith.muli %scan3A_165, %mul3A_166 : i32
        %get3A_168 = arith.constant 0 : i32
        %get3A_169 = arith.index_cast %get3A_168 : i32 to index
        %get3A_170 = arith.index_cast %scan3A_159 : i32 to index
        %get3A_171 = arith.index_cast %mul3A_167 : i32 to index
        %get3A_172 = tpu.vector_load %arg7[%get3A_169, %get3A_170, %get3A_171] {strides = array<i32>} : memref<2x8x128xf32, #tpu.memory_space<vmem>>, vector<1x1x16xf32>,
        %get3A_173 = vector.shape_cast %get3A_172 : vector<1x1x16xf32> to vector<16xf32>
        %add3A_174 = arith.addf %get3A_173, %mul3A_145 : vector<16xf32>
        %add3A_175 = arith.addf %add3A_174, %bitcast_convert_type3A_60 : vector<16xf32>
        %mul3A_176 = arith.constant 1.023000e+03 : f32
        %mul3A_177 = vector.broadcast %mul3A_176 : f32 to vector<16xf32>
        %mul3A_178 = arith.mulf %add3A_175, %mul3A_177 : vector<16xf32>
        %get3A_179 = arith.constant 1 : i32
        %get3A_180 = arith.index_cast %get3A_179 : i32 to index
        %get3A_181 = arith.index_cast %scan3A_159 : i32 to index
        %get3A_182 = arith.index_cast %mul3A_167 : i32 to index
        %get3A_183 = tpu.vector_load %arg7[%get3A_180, %get3A_181, %get3A_182] {strides = array<i32>} : memref<2x8x128xf32, #tpu.memory_space<vmem>>, vector<1x1x16xf32>,
        %get3A_184 = vector.shape_cast %get3A_183 : vector<1x1x16xf32> to vector<16xf32>
        %add3A_185 = arith.addf %get3A_184, %mul3A_146 : vector<16xf32>
        %add3A_186 = arith.addf %add3A_185, %bitcast_convert_type3A_120 : vector<16xf32>
        %mul3A_187 = arith.constant 1.023000e+03 : f32
        %mul3A_188 = vector.broadcast %mul3A_187 : f32 to vector<16xf32>
        %mul3A_189 = arith.mulf %add3A_186, %mul3A_188 : vector<16xf32>
        %convert_element_type3A_190 = arith.fptosi %mul3A_178 : vector<16xf32> to vector<16xi32>
        %jit3A = arith.constant 0 : i32
        %jit3A_191 = arith.constant 1022 : i32
        %max3A = vector.broadcast %jit3A : i32 to vector<16xi32>
        %max3A_192 = arith.maxsi %max3A, %convert_element_type3A_190 : vector<16xi32>
        %min3A = vector.broadcast %jit3A_191 : i32 to vector<16xi32>
        %min3A_193 = arith.minsi %min3A, %max3A_192 : vector<16xi32>
        %convert_element_type3A_194 = arith.fptosi %mul3A_189 : vector<16xf32> to vector<16xi32>
        %jit3A_195 = arith.constant 0 : i32
        %jit3A_196 = arith.constant 1022 : i32
        %max3A_197 = vector.broadcast %jit3A_195 : i32 to vector<16xi32>
        %max3A_198 = arith.maxsi %max3A_197, %convert_element_type3A_194 : vector<16xi32>
        %min3A_199 = vector.broadcast %jit3A_196 : i32 to vector<16xi32>
        %min3A_200 = arith.minsi %min3A_199, %max3A_198 : vector<16xi32>
        %convert_element_type3A_201 = arith.sitofp %min3A_193 : vector<16xi32> to vector<16xf32>
        %sub3A = arith.subf %mul3A_178, %convert_element_type3A_201 : vector<16xf32>
        %convert_element_type3A_202 = arith.sitofp %min3A_200 : vector<16xi32> to vector<16xf32>
        %sub3A_203 = arith.subf %mul3A_189, %convert_element_type3A_202 : vector<16xf32>
        %ge3A = arith.constant 0.000000e+00 : f32
        %ge3A_204 = vector.broadcast %ge3A : f32 to vector<16xf32>
        %ge3A_205 = arith.cmpf oge, %mul3A_178, %ge3A_204 : vector<16xf32>
        %lt3A = arith.constant 1.023000e+03 : f32
        %lt3A_206 = vector.broadcast %lt3A : f32 to vector<16xf32>
        %lt3A_207 = arith.cmpf olt, %mul3A_178, %lt3A_206 : vector<16xf32>
        %and3A_208 = arith.andi %ge3A_205, %lt3A_207 : vector<16xi1>
        %ge3A_209 = arith.constant 0.000000e+00 : f32
        %ge3A_210 = vector.broadcast %ge3A_209 : f32 to vector<16xf32>
        %ge3A_211 = arith.cmpf oge, %mul3A_189, %ge3A_210 : vector<16xf32>
        %and3A_212 = arith.andi %and3A_208, %ge3A_211 : vector<16xi1>
        %lt3A_213 = arith.constant 1.023000e+03 : f32
        %lt3A_214 = vector.broadcast %lt3A_213 : f32 to vector<16xf32>
        %lt3A_215 = arith.cmpf olt, %mul3A_189, %lt3A_214 : vector<16xf32>
        %and3A_216 = arith.andi %and3A_212, %lt3A_215 : vector<16xi1>
        %jit3A_217 = arith.constant 1.000000e+00 : f32
        %jit3A_218 = arith.constant 0.000000e+00 : f32
        %broadcast_in_dim3A_219 = vector.broadcast %jit3A_217 : f32 to vector<16xf32>
        %broadcast_in_dim3A_220 = vector.broadcast %jit3A_218 : f32 to vector<16xf32>
        %select_n3A = arith.select %and3A_216, %broadcast_in_dim3A_219, %broadcast_in_dim3A_220 : vector<16xi1>, vector<16xf32>
        %mul3A_221 = arith.constant 1024 : i32
        %mul3A_222 = vector.broadcast %mul3A_221 : i32 to vector<16xi32>
        %mul3A_223 = arith.muli %min3A_200, %mul3A_222 : vector<16xi32>
        %add3A_224 = arith.addi %mul3A_223, %min3A_193 : vector<16xi32>
        %swap3A = arith.constant 0 : i32
        %swap3A_225 = arith.index_cast %swap3A : i32 to index
        %swap3A_226 = arith.index_cast %scan3A_159 : i32 to index
        %swap3A_227 = arith.index_cast %mul3A_167 : i32 to index
        %swap3A_228 = tpu.vector_load %arg8[%swap3A_225, %swap3A_226, %swap3A_227] {strides = array<i32>} : memref<2x32x128xi32, #tpu.memory_space<vmem>>, vector<1x1x16xi32>,
        %swap3A_229 = vector.shape_cast %swap3A_228 : vector<1x1x16xi32> to vector<16xi32>
        %swap3A_230 = vector.shape_cast %add3A_224 : vector<16xi32> to vector<1x1x16xi32>
        tpu.vector_store %arg8[%swap3A_225, %swap3A_226, %swap3A_227], %swap3A_230 {strides = array<i32>} : memref<2x32x128xi32, #tpu.memory_space<vmem>>, vector<1x1x16xi32>,
        %add3A_231 = arith.constant 1 : i32
        %add3A_232 = vector.broadcast %add3A_231 : i32 to vector<16xi32>
        %add3A_233 = arith.addi %add3A_224, %add3A_232 : vector<16xi32>
        %add3A_234 = arith.constant 8 : i32
        %add3A_235 = arith.addi %add3A_234, %scan3A_159 : i32
        %swap3A_236 = arith.constant 0 : i32
        %swap3A_237 = arith.index_cast %swap3A_236 : i32 to index
        %swap3A_238 = arith.index_cast %add3A_235 : i32 to index
        %swap3A_239 = arith.index_cast %mul3A_167 : i32 to index
        %swap3A_240 = tpu.vector_load %arg8[%swap3A_237, %swap3A_238, %swap3A_239] {strides = array<i32>} : memref<2x32x128xi32, #tpu.memory_space<vmem>>, vector<1x1x16xi32>,
        %swap3A_241 = vector.shape_cast %swap3A_240 : vector<1x1x16xi32> to vector<16xi32>
        %swap3A_242 = vector.shape_cast %add3A_233 : vector<16xi32> to vector<1x1x16xi32>
        tpu.vector_store %arg8[%swap3A_237, %swap3A_238, %swap3A_239], %swap3A_242 {strides = array<i32>} : memref<2x32x128xi32, #tpu.memory_space<vmem>>, vector<1x1x16xi32>,
        %add3A_243 = arith.constant 1024 : i32
        %add3A_244 = vector.broadcast %add3A_243 : i32 to vector<16xi32>
        %add3A_245 = arith.addi %add3A_224, %add3A_244 : vector<16xi32>
        %add3A_246 = arith.constant 16 : i32
        %add3A_247 = arith.addi %add3A_246, %scan3A_159 : i32
        %swap3A_248 = arith.constant 0 : i32
        %swap3A_249 = arith.index_cast %swap3A_248 : i32 to index
        %swap3A_250 = arith.index_cast %add3A_247 : i32 to index
        %swap3A_251 = arith.index_cast %mul3A_167 : i32 to index
        %swap3A_252 = tpu.vector_load %arg8[%swap3A_249, %swap3A_250, %swap3A_251] {strides = array<i32>} : memref<2x32x128xi32, #tpu.memory_space<vmem>>, vector<1x1x16xi32>,
        %swap3A_253 = vector.shape_cast %swap3A_252 : vector<1x1x16xi32> to vector<16xi32>
        %swap3A_254 = vector.shape_cast %add3A_245 : vector<16xi32> to vector<1x1x16xi32>
        tpu.vector_store %arg8[%swap3A_249, %swap3A_250, %swap3A_251], %swap3A_254 {strides = array<i32>} : memref<2x32x128xi32, #tpu.memory_space<vmem>>, vector<1x1x16xi32>,
        %add3A_255 = arith.constant 1024 : i32
        %add3A_256 = vector.broadcast %add3A_255 : i32 to vector<16xi32>
        %add3A_257 = arith.addi %add3A_224, %add3A_256 : vector<16xi32>
        %add3A_258 = arith.constant 1 : i32
        %add3A_259 = vector.broadcast %add3A_258 : i32 to vector<16xi32>
        %add3A_260 = arith.addi %add3A_257, %add3A_259 : vector<16xi32>
        %add3A_261 = arith.constant 24 : i32
        %add3A_262 = arith.addi %add3A_261, %scan3A_159 : i32
        %swap3A_263 = arith.constant 0 : i32
        %swap3A_264 = arith.index_cast %swap3A_263 : i32 to index
        %swap3A_265 = arith.index_cast %add3A_262 : i32 to index
        %swap3A_266 = arith.index_cast %mul3A_167 : i32 to index
        %swap3A_267 = tpu.vector_load %arg8[%swap3A_264, %swap3A_265, %swap3A_266] {strides = array<i32>} : memref<2x32x128xi32, #tpu.memory_space<vmem>>, vector<1x1x16xi32>,
        %swap3A_268 = vector.shape_cast %swap3A_267 : vector<1x1x16xi32> to vector<16xi32>
        %swap3A_269 = vector.shape_cast %add3A_260 : vector<16xi32> to vector<1x1x16xi32>
        tpu.vector_store %arg8[%swap3A_264, %swap3A_265, %swap3A_266], %swap3A_269 {strides = array<i32>} : memref<2x32x128xi32, #tpu.memory_space<vmem>>, vector<1x1x16xi32>,
        %swap3A_270 = arith.constant 0 : i32
        %swap3A_271 = arith.index_cast %swap3A_270 : i32 to index
        %swap3A_272 = arith.index_cast %scan3A_159 : i32 to index
        %swap3A_273 = arith.index_cast %mul3A_167 : i32 to index
        %swap3A_274 = tpu.vector_load %arg10[%swap3A_271, %swap3A_272, %swap3A_273] {strides = array<i32>} : memref<2x8x128xf32, #tpu.memory_space<vmem>>, vector<1x1x16xf32>,
        %swap3A_275 = vector.shape_cast %swap3A_274 : vector<1x1x16xf32> to vector<16xf32>
        %swap3A_276 = vector.shape_cast %sub3A : vector<16xf32> to vector<1x1x16xf32>
        tpu.vector_store %arg10[%swap3A_271, %swap3A_272, %swap3A_273], %swap3A_276 {strides = array<i32>} : memref<2x8x128xf32, #tpu.memory_space<vmem>>, vector<1x1x16xf32>,
        %swap3A_277 = arith.constant 0 : i32
        %swap3A_278 = arith.index_cast %swap3A_277 : i32 to index
        %swap3A_279 = arith.index_cast %scan3A_159 : i32 to index
        %swap3A_280 = arith.index_cast %mul3A_167 : i32 to index
        %swap3A_281 = tpu.vector_load %arg11[%swap3A_278, %swap3A_279, %swap3A_280] {strides = array<i32>} : memref<2x8x128xf32, #tpu.memory_space<vmem>>, vector<1x1x16xf32>,
        %swap3A_282 = vector.shape_cast %swap3A_281 : vector<1x1x16xf32> to vector<16xf32>
        %swap3A_283 = vector.shape_cast %sub3A_203 : vector<16xf32> to vector<1x1x16xf32>
        tpu.vector_store %arg11[%swap3A_278, %swap3A_279, %swap3A_280], %swap3A_283 {strides = array<i32>} : memref<2x8x128xf32, #tpu.memory_space<vmem>>, vector<1x1x16xf32>,
        %swap3A_284 = arith.constant 0 : i32
        %swap3A_285 = arith.index_cast %swap3A_284 : i32 to index
        %swap3A_286 = arith.index_cast %scan3A_159 : i32 to index
        %swap3A_287 = arith.index_cast %mul3A_167 : i32 to index
        %swap3A_288 = tpu.vector_load %arg12[%swap3A_285, %swap3A_286, %swap3A_287] {strides = array<i32>} : memref<2x8x128xf32, #tpu.memory_space<vmem>>, vector<1x1x16xf32>,
        %swap3A_289 = vector.shape_cast %swap3A_288 : vector<1x1x16xf32> to vector<16xf32>
        %swap3A_290 = vector.shape_cast %select_n3A : vector<16xf32> to vector<1x1x16xf32>
        tpu.vector_store %arg12[%swap3A_285, %swap3A_286, %swap3A_287], %swap3A_290 {strides = array<i32>} : memref<2x8x128xf32, #tpu.memory_space<vmem>>, vector<1x1x16xf32>,
      }
      %scan3A_164 = arith.constant 8 : i32
    }
    %scan3A_152 = arith.constant 8 : i32
    %scan3A_153 = arith.constant 0 : i32
    %scan3A_154 = arith.constant 0 : i32
    %scan3A_155 = arith.constant 16 : i32
    %scan3A_156 = arith.addi %scan3A_154, %scan3A_155 : i32
    %scan3A_157 = arith.constant 1 : i32
    scf.for %scan3A_159 = %scan3A_154 to %scan3A_156 step %scan3A_157  : i32 {
      %mul3A_160 = arith.constant 2 : i32
      %mul3A_161 = arith.muli %mul3A_160, %scan3A_159 : i32
      %add3A_162 = arith.addi %mul3A_122, %mul3A_161 : i32
      %add3A_163 = arith.constant 1 : i32
      %add3A_164 = arith.addi %add3A_162, %add3A_163 : i32
      %broadcast_in_dim3A_165 = vector.broadcast %add3A_164 : i32 to vector<16xi32>
      %convert_element_type3A_166 = arith.sitofp %broadcast_in_dim3A_165 : vector<16xi32> to vector<16xf32>
      %div3A_167 = arith.constant 1.023000e+03 : f32
      %div3A_168 = vector.broadcast %div3A_167 : f32 to vector<16xf32>
      %div3A_169 = arith.divf %convert_element_type3A_166, %div3A_168 : vector<16xf32>
      %bitcast_convert_type3A_170 = tpu.bitcast %div3A_169 : vector<16xf32> -> vector<16xi32>
      %add3A_171 = arith.constant 32767 : i32
      %add3A_172 = vector.broadcast %add3A_171 : i32 to vector<16xi32>
      %add3A_173 = arith.addi %bitcast_convert_type3A_170, %add3A_172 : vector<16xi32>
      %shift_right_logical3A_174 = arith.constant 16 : i32
      %shift_right_logical3A_175 = vector.broadcast %shift_right_logical3A_174 : i32 to vector<16xi32>
      %shift_right_logical3A_176 = arith.shrui %bitcast_convert_type3A_170, %shift_right_logical3A_175 : vector<16xi32>
      %and3A_177 = arith.constant 1 : i32
      %and3A_178 = vector.broadcast %and3A_177 : i32 to vector<16xi32>
      %and3A_179 = arith.andi %shift_right_logical3A_176, %and3A_178 : vector<16xi32>
      %add3A_180 = arith.addi %add3A_173, %and3A_179 : vector<16xi32>
      %and3A_181 = arith.constant -65536 : i32
      %and3A_182 = vector.broadcast %and3A_181 : i32 to vector<16xi32>
      %and3A_183 = arith.andi %add3A_180, %and3A_182 : vector<16xi32>
      %bitcast_convert_type3A_184 = tpu.bitcast %and3A_183 : vector<16xi32> -> vector<16xf32>
      %mul3A_185 = arith.mulf %bitcast_convert_type3A_40, %bitcast_convert_type3A_184 : vector<16xf32>
      %mul3A_186 = arith.mulf %bitcast_convert_type3A_100, %bitcast_convert_type3A_184 : vector<16xf32>
      %scan3A_187 = arith.constant 0 : i32
      %scan3A_188 = arith.constant 0 : i32
      %scan3A_189 = arith.constant 8 : i32
      %scan3A_190 = arith.addi %scan3A_188, %scan3A_189 : i32
      %scan3A_191 = arith.constant 1 : i32
      scf.for %scan3A_237 = %scan3A_188 to %scan3A_190 step %scan3A_191  : i32 {
        %scan3A_238 = arith.constant 0 : i32
        %scan3A_239 = arith.constant 8 : i32
        %scan3A_240 = arith.addi %scan3A_238, %scan3A_239 : i32
        %scan3A_241 = arith.constant 1 : i32
        scf.for %scan3A_243 = %scan3A_238 to %scan3A_240 step %scan3A_241  : i32 {
          %mul3A_244 = arith.constant 16 : i32
          %mul3A_245 = arith.muli %scan3A_243, %mul3A_244 : i32
          %get3A_246 = arith.constant 0 : i32
          %get3A_247 = arith.index_cast %get3A_246 : i32 to index
          %get3A_248 = arith.index_cast %scan3A_237 : i32 to index
          %get3A_249 = arith.index_cast %mul3A_245 : i32 to index
          %get3A_250 = tpu.vector_load %arg7[%get3A_247, %get3A_248, %get3A_249] {strides = array<i32>} : memref<2x8x128xf32, #tpu.memory_space<vmem>>, vector<1x1x16xf32>,
          %get3A_251 = vector.shape_cast %get3A_250 : vector<1x1x16xf32> to vector<16xf32>
          %add3A_252 = arith.addf %get3A_251, %mul3A_185 : vector<16xf32>
          %add3A_253 = arith.addf %add3A_252, %bitcast_convert_type3A_60 : vector<16xf32>
          %mul3A_254 = arith.constant 1.023000e+03 : f32
          %mul3A_255 = vector.broadcast %mul3A_254 : f32 to vector<16xf32>
          %mul3A_256 = arith.mulf %add3A_253, %mul3A_255 : vector<16xf32>
          %get3A_257 = arith.constant 1 : i32
          %get3A_258 = arith.index_cast %get3A_257 : i32 to index
          %get3A_259 = arith.index_cast %scan3A_237 : i32 to index
          %get3A_260 = arith.index_cast %mul3A_245 : i32 to index
          %get3A_261 = tpu.vector_load %arg7[%get3A_258, %get3A_259, %get3A_260] {strides = array<i32>} : memref<2x8x128xf32, #tpu.memory_space<vmem>>, vector<1x1x16xf32>,
          %get3A_262 = vector.shape_cast %get3A_261 : vector<1x1x16xf32> to vector<16xf32>
          %add3A_263 = arith.addf %get3A_262, %mul3A_186 : vector<16xf32>
          %add3A_264 = arith.addf %add3A_263, %bitcast_convert_type3A_120 : vector<16xf32>
          %mul3A_265 = arith.constant 1.023000e+03 : f32
          %mul3A_266 = vector.broadcast %mul3A_265 : f32 to vector<16xf32>
          %mul3A_267 = arith.mulf %add3A_264, %mul3A_266 : vector<16xf32>
          %convert_element_type3A_268 = arith.fptosi %mul3A_256 : vector<16xf32> to vector<16xi32>
          %jit3A = arith.constant 0 : i32
          %jit3A_269 = arith.constant 1022 : i32
          %max3A = vector.broadcast %jit3A : i32 to vector<16xi32>
          %max3A_270 = arith.maxsi %max3A, %convert_element_type3A_268 : vector<16xi32>
          %min3A = vector.broadcast %jit3A_269 : i32 to vector<16xi32>
          %min3A_271 = arith.minsi %min3A, %max3A_270 : vector<16xi32>
          %convert_element_type3A_272 = arith.fptosi %mul3A_267 : vector<16xf32> to vector<16xi32>
          %jit3A_273 = arith.constant 0 : i32
          %jit3A_274 = arith.constant 1022 : i32
          %max3A_275 = vector.broadcast %jit3A_273 : i32 to vector<16xi32>
          %max3A_276 = arith.maxsi %max3A_275, %convert_element_type3A_272 : vector<16xi32>
          %min3A_277 = vector.broadcast %jit3A_274 : i32 to vector<16xi32>
          %min3A_278 = arith.minsi %min3A_277, %max3A_276 : vector<16xi32>
          %convert_element_type3A_279 = arith.sitofp %min3A_271 : vector<16xi32> to vector<16xf32>
          %sub3A = arith.subf %mul3A_256, %convert_element_type3A_279 : vector<16xf32>
          %convert_element_type3A_280 = arith.sitofp %min3A_278 : vector<16xi32> to vector<16xf32>
          %sub3A_281 = arith.subf %mul3A_267, %convert_element_type3A_280 : vector<16xf32>
          %ge3A = arith.constant 0.000000e+00 : f32
          %ge3A_282 = vector.broadcast %ge3A : f32 to vector<16xf32>
          %ge3A_283 = arith.cmpf oge, %mul3A_256, %ge3A_282 : vector<16xf32>
          %lt3A = arith.constant 1.023000e+03 : f32
          %lt3A_284 = vector.broadcast %lt3A : f32 to vector<16xf32>
          %lt3A_285 = arith.cmpf olt, %mul3A_256, %lt3A_284 : vector<16xf32>
          %and3A_286 = arith.andi %ge3A_283, %lt3A_285 : vector<16xi1>
          %ge3A_287 = arith.constant 0.000000e+00 : f32
          %ge3A_288 = vector.broadcast %ge3A_287 : f32 to vector<16xf32>
          %ge3A_289 = arith.cmpf oge, %mul3A_267, %ge3A_288 : vector<16xf32>
          %and3A_290 = arith.andi %and3A_286, %ge3A_289 : vector<16xi1>
          %lt3A_291 = arith.constant 1.023000e+03 : f32
          %lt3A_292 = vector.broadcast %lt3A_291 : f32 to vector<16xf32>
          %lt3A_293 = arith.cmpf olt, %mul3A_267, %lt3A_292 : vector<16xf32>
          %and3A_294 = arith.andi %and3A_290, %lt3A_293 : vector<16xi1>
          %jit3A_295 = arith.constant 1.000000e+00 : f32
          %jit3A_296 = arith.constant 0.000000e+00 : f32
          %broadcast_in_dim3A_297 = vector.broadcast %jit3A_295 : f32 to vector<16xf32>
          %broadcast_in_dim3A_298 = vector.broadcast %jit3A_296 : f32 to vector<16xf32>
          %select_n3A = arith.select %and3A_294, %broadcast_in_dim3A_297, %broadcast_in_dim3A_298 : vector<16xi1>, vector<16xf32>
          %mul3A_299 = arith.constant 1024 : i32
          %mul3A_300 = vector.broadcast %mul3A_299 : i32 to vector<16xi32>
          %mul3A_301 = arith.muli %min3A_278, %mul3A_300 : vector<16xi32>
          %add3A_302 = arith.addi %mul3A_301, %min3A_271 : vector<16xi32>
          %swap3A = arith.constant 1 : i32
          %swap3A_303 = arith.index_cast %swap3A : i32 to index
          %swap3A_304 = arith.index_cast %scan3A_237 : i32 to index
          %swap3A_305 = arith.index_cast %mul3A_245 : i32 to index
          %swap3A_306 = tpu.vector_load %arg8[%swap3A_303, %swap3A_304, %swap3A_305] {strides = array<i32>} : memref<2x32x128xi32, #tpu.memory_space<vmem>>, vector<1x1x16xi32>,
          %swap3A_307 = vector.shape_cast %swap3A_306 : vector<1x1x16xi32> to vector<16xi32>
          %swap3A_308 = vector.shape_cast %add3A_302 : vector<16xi32> to vector<1x1x16xi32>
          tpu.vector_store %arg8[%swap3A_303, %swap3A_304, %swap3A_305], %swap3A_308 {strides = array<i32>} : memref<2x32x128xi32, #tpu.memory_space<vmem>>, vector<1x1x16xi32>,
          %add3A_309 = arith.constant 1 : i32
          %add3A_310 = vector.broadcast %add3A_309 : i32 to vector<16xi32>
          %add3A_311 = arith.addi %add3A_302, %add3A_310 : vector<16xi32>
          %add3A_312 = arith.constant 8 : i32
          %add3A_313 = arith.addi %add3A_312, %scan3A_237 : i32
          %swap3A_314 = arith.constant 1 : i32
          %swap3A_315 = arith.index_cast %swap3A_314 : i32 to index
          %swap3A_316 = arith.index_cast %add3A_313 : i32 to index
          %swap3A_317 = arith.index_cast %mul3A_245 : i32 to index
          %swap3A_318 = tpu.vector_load %arg8[%swap3A_315, %swap3A_316, %swap3A_317] {strides = array<i32>} : memref<2x32x128xi32, #tpu.memory_space<vmem>>, vector<1x1x16xi32>,
          %swap3A_319 = vector.shape_cast %swap3A_318 : vector<1x1x16xi32> to vector<16xi32>
          %swap3A_320 = vector.shape_cast %add3A_311 : vector<16xi32> to vector<1x1x16xi32>
          tpu.vector_store %arg8[%swap3A_315, %swap3A_316, %swap3A_317], %swap3A_320 {strides = array<i32>} : memref<2x32x128xi32, #tpu.memory_space<vmem>>, vector<1x1x16xi32>,
          %add3A_321 = arith.constant 1024 : i32
          %add3A_322 = vector.broadcast %add3A_321 : i32 to vector<16xi32>
          %add3A_323 = arith.addi %add3A_302, %add3A_322 : vector<16xi32>
          %add3A_324 = arith.constant 16 : i32
          %add3A_325 = arith.addi %add3A_324, %scan3A_237 : i32
          %swap3A_326 = arith.constant 1 : i32
          %swap3A_327 = arith.index_cast %swap3A_326 : i32 to index
          %swap3A_328 = arith.index_cast %add3A_325 : i32 to index
          %swap3A_329 = arith.index_cast %mul3A_245 : i32 to index
          %swap3A_330 = tpu.vector_load %arg8[%swap3A_327, %swap3A_328, %swap3A_329] {strides = array<i32>} : memref<2x32x128xi32, #tpu.memory_space<vmem>>, vector<1x1x16xi32>,
          %swap3A_331 = vector.shape_cast %swap3A_330 : vector<1x1x16xi32> to vector<16xi32>
          %swap3A_332 = vector.shape_cast %add3A_323 : vector<16xi32> to vector<1x1x16xi32>
          tpu.vector_store %arg8[%swap3A_327, %swap3A_328, %swap3A_329], %swap3A_332 {strides = array<i32>} : memref<2x32x128xi32, #tpu.memory_space<vmem>>, vector<1x1x16xi32>,
          %add3A_333 = arith.constant 1024 : i32
          %add3A_334 = vector.broadcast %add3A_333 : i32 to vector<16xi32>
          %add3A_335 = arith.addi %add3A_302, %add3A_334 : vector<16xi32>
          %add3A_336 = arith.constant 1 : i32
          %add3A_337 = vector.broadcast %add3A_336 : i32 to vector<16xi32>
          %add3A_338 = arith.addi %add3A_335, %add3A_337 : vector<16xi32>
          %add3A_339 = arith.constant 24 : i32
          %add3A_340 = arith.addi %add3A_339, %scan3A_237 : i32
          %swap3A_341 = arith.constant 1 : i32
          %swap3A_342 = arith.index_cast %swap3A_341 : i32 to index
          %swap3A_343 = arith.index_cast %add3A_340 : i32 to index
          %swap3A_344 = arith.index_cast %mul3A_245 : i32 to index
          %swap3A_345 = tpu.vector_load %arg8[%swap3A_342, %swap3A_343, %swap3A_344] {strides = array<i32>} : memref<2x32x128xi32, #tpu.memory_space<vmem>>, vector<1x1x16xi32>,
          %swap3A_346 = vector.shape_cast %swap3A_345 : vector<1x1x16xi32> to vector<16xi32>
          %swap3A_347 = vector.shape_cast %add3A_338 : vector<16xi32> to vector<1x1x16xi32>
          tpu.vector_store %arg8[%swap3A_342, %swap3A_343, %swap3A_344], %swap3A_347 {strides = array<i32>} : memref<2x32x128xi32, #tpu.memory_space<vmem>>, vector<1x1x16xi32>,
          %swap3A_348 = arith.constant 1 : i32
          %swap3A_349 = arith.index_cast %swap3A_348 : i32 to index
          %swap3A_350 = arith.index_cast %scan3A_237 : i32 to index
          %swap3A_351 = arith.index_cast %mul3A_245 : i32 to index
          %swap3A_352 = tpu.vector_load %arg10[%swap3A_349, %swap3A_350, %swap3A_351] {strides = array<i32>} : memref<2x8x128xf32, #tpu.memory_space<vmem>>, vector<1x1x16xf32>,
          %swap3A_353 = vector.shape_cast %swap3A_352 : vector<1x1x16xf32> to vector<16xf32>
          %swap3A_354 = vector.shape_cast %sub3A : vector<16xf32> to vector<1x1x16xf32>
          tpu.vector_store %arg10[%swap3A_349, %swap3A_350, %swap3A_351], %swap3A_354 {strides = array<i32>} : memref<2x8x128xf32, #tpu.memory_space<vmem>>, vector<1x1x16xf32>,
          %swap3A_355 = arith.constant 1 : i32
          %swap3A_356 = arith.index_cast %swap3A_355 : i32 to index
          %swap3A_357 = arith.index_cast %scan3A_237 : i32 to index
          %swap3A_358 = arith.index_cast %mul3A_245 : i32 to index
          %swap3A_359 = tpu.vector_load %arg11[%swap3A_356, %swap3A_357, %swap3A_358] {strides = array<i32>} : memref<2x8x128xf32, #tpu.memory_space<vmem>>, vector<1x1x16xf32>,
          %swap3A_360 = vector.shape_cast %swap3A_359 : vector<1x1x16xf32> to vector<16xf32>
          %swap3A_361 = vector.shape_cast %sub3A_281 : vector<16xf32> to vector<1x1x16xf32>
          tpu.vector_store %arg11[%swap3A_356, %swap3A_357, %swap3A_358], %swap3A_361 {strides = array<i32>} : memref<2x8x128xf32, #tpu.memory_space<vmem>>, vector<1x1x16xf32>,
          %swap3A_362 = arith.constant 1 : i32
          %swap3A_363 = arith.index_cast %swap3A_362 : i32 to index
          %swap3A_364 = arith.index_cast %scan3A_237 : i32 to index
          %swap3A_365 = arith.index_cast %mul3A_245 : i32 to index
          %swap3A_366 = tpu.vector_load %arg12[%swap3A_363, %swap3A_364, %swap3A_365] {strides = array<i32>} : memref<2x8x128xf32, #tpu.memory_space<vmem>>, vector<1x1x16xf32>,
          %swap3A_367 = vector.shape_cast %swap3A_366 : vector<1x1x16xf32> to vector<16xf32>
          %swap3A_368 = vector.shape_cast %select_n3A : vector<16xf32> to vector<1x1x16xf32>
          tpu.vector_store %arg12[%swap3A_363, %swap3A_364, %swap3A_365], %swap3A_368 {strides = array<i32>} : memref<2x8x128xf32, #tpu.memory_space<vmem>>, vector<1x1x16xf32>,
        }
        %scan3A_242 = arith.constant 8 : i32
      }
      %scan3A_192 = arith.constant 8 : i32
      %scan3A_193 = arith.constant 0 : i32
      %scan3A_194 = arith.constant 0 : i32
      %scan3A_195 = arith.constant 8 : i32
      %scan3A_196 = arith.addi %scan3A_194, %scan3A_195 : i32
      %scan3A_197 = arith.constant 1 : i32
      scf.for %scan3A_237 = %scan3A_194 to %scan3A_196 step %scan3A_197  : i32 {
        %scan3A_238 = arith.constant 0 : i32
        %scan3A_239 = arith.constant 8 : i32
        %scan3A_240 = arith.addi %scan3A_238, %scan3A_239 : i32
        %scan3A_241 = arith.constant 1 : i32
        scf.for %scan3A_243 = %scan3A_238 to %scan3A_240 step %scan3A_241  : i32 {
          %mul3A_244 = arith.constant 16 : i32
          %mul3A_245 = arith.muli %scan3A_243, %mul3A_244 : i32
          %get3A_246 = arith.constant 0 : i32
          %get3A_247 = arith.index_cast %get3A_246 : i32 to index
          %get3A_248 = arith.index_cast %scan3A_237 : i32 to index
          %get3A_249 = arith.index_cast %mul3A_245 : i32 to index
          %get3A_250 = tpu.vector_load %arg9[%get3A_247, %get3A_248, %get3A_249] {strides = array<i32>} : memref<2x32x128xf32, #tpu.memory_space<vmem>>, vector<1x1x16xf32>,
          %get3A_251 = vector.shape_cast %get3A_250 : vector<1x1x16xf32> to vector<16xf32>
          %add3A_252 = arith.constant 8 : i32
          %add3A_253 = arith.addi %add3A_252, %scan3A_237 : i32
          %get3A_254 = arith.constant 0 : i32
          %get3A_255 = arith.index_cast %get3A_254 : i32 to index
          %get3A_256 = arith.index_cast %add3A_253 : i32 to index
          %get3A_257 = arith.index_cast %mul3A_245 : i32 to index
          %get3A_258 = tpu.vector_load %arg9[%get3A_255, %get3A_256, %get3A_257] {strides = array<i32>} : memref<2x32x128xf32, #tpu.memory_space<vmem>>, vector<1x1x16xf32>,
          %get3A_259 = vector.shape_cast %get3A_258 : vector<1x1x16xf32> to vector<16xf32>
          %add3A_260 = arith.constant 16 : i32
          %add3A_261 = arith.addi %add3A_260, %scan3A_237 : i32
          %get3A_262 = arith.constant 0 : i32
          %get3A_263 = arith.index_cast %get3A_262 : i32 to index
          %get3A_264 = arith.index_cast %add3A_261 : i32 to index
          %get3A_265 = arith.index_cast %mul3A_245 : i32 to index
          %get3A_266 = tpu.vector_load %arg9[%get3A_263, %get3A_264, %get3A_265] {strides = array<i32>} : memref<2x32x128xf32, #tpu.memory_space<vmem>>, vector<1x1x16xf32>,
          %get3A_267 = vector.shape_cast %get3A_266 : vector<1x1x16xf32> to vector<16xf32>
          %add3A_268 = arith.constant 24 : i32
          %add3A_269 = arith.addi %add3A_268, %scan3A_237 : i32
          %get3A_270 = arith.constant 0 : i32
          %get3A_271 = arith.index_cast %get3A_270 : i32 to index
          %get3A_272 = arith.index_cast %add3A_269 : i32 to index
          %get3A_273 = arith.index_cast %mul3A_245 : i32 to index
          %get3A_274 = tpu.vector_load %arg9[%get3A_271, %get3A_272, %get3A_273] {strides = array<i32>} : memref<2x32x128xf32, #tpu.memory_space<vmem>>, vector<1x1x16xf32>,
          %get3A_275 = vector.shape_cast %get3A_274 : vector<1x1x16xf32> to vector<16xf32>
          %get3A_276 = arith.constant 0 : i32
          %get3A_277 = arith.index_cast %get3A_276 : i32 to index
          %get3A_278 = arith.index_cast %scan3A_237 : i32 to index
          %get3A_279 = arith.index_cast %mul3A_245 : i32 to index
          %get3A_280 = tpu.vector_load %arg10[%get3A_277, %get3A_278, %get3A_279] {strides = array<i32>} : memref<2x8x128xf32, #tpu.memory_space<vmem>>, vector<1x1x16xf32>,
          %get3A_281 = vector.shape_cast %get3A_280 : vector<1x1x16xf32> to vector<16xf32>
          %get3A_282 = arith.constant 0 : i32
          %get3A_283 = arith.index_cast %get3A_282 : i32 to index
          %get3A_284 = arith.index_cast %scan3A_237 : i32 to index
          %get3A_285 = arith.index_cast %mul3A_245 : i32 to index
          %get3A_286 = tpu.vector_load %arg11[%get3A_283, %get3A_284, %get3A_285] {strides = array<i32>} : memref<2x8x128xf32, #tpu.memory_space<vmem>>, vector<1x1x16xf32>,
          %get3A_287 = vector.shape_cast %get3A_286 : vector<1x1x16xf32> to vector<16xf32>
          %get3A_288 = arith.constant 0 : i32
          %get3A_289 = arith.index_cast %get3A_288 : i32 to index
          %get3A_290 = arith.index_cast %scan3A_237 : i32 to index
          %get3A_291 = arith.index_cast %mul3A_245 : i32 to index
          %get3A_292 = tpu.vector_load %arg12[%get3A_289, %get3A_290, %get3A_291] {strides = array<i32>} : memref<2x8x128xf32, #tpu.memory_space<vmem>>, vector<1x1x16xf32>,
          %get3A_293 = vector.shape_cast %get3A_292 : vector<1x1x16xf32> to vector<16xf32>
          %sub3A = arith.constant 1.000000e+00 : f32
          %sub3A_294 = vector.broadcast %sub3A : f32 to vector<16xf32>
          %sub3A_295 = arith.subf %sub3A_294, %get3A_281 : vector<16xf32>
          %sub3A_296 = arith.constant 1.000000e+00 : f32
          %sub3A_297 = vector.broadcast %sub3A_296 : f32 to vector<16xf32>
          %sub3A_298 = arith.subf %sub3A_297, %get3A_287 : vector<16xf32>
          %mul3A_299 = arith.mulf %sub3A_295, %get3A_251 : vector<16xf32>
          %mul3A_300 = arith.mulf %get3A_281, %get3A_259 : vector<16xf32>
          %add3A_301 = arith.addf %mul3A_299, %mul3A_300 : vector<16xf32>
          %mul3A_302 = arith.mulf %sub3A_295, %get3A_267 : vector<16xf32>
          %mul3A_303 = arith.mulf %get3A_281, %get3A_275 : vector<16xf32>
          %add3A_304 = arith.addf %mul3A_302, %mul3A_303 : vector<16xf32>
          %mul3A_305 = arith.mulf %sub3A_298, %add3A_301 : vector<16xf32>
          %mul3A_306 = arith.mulf %get3A_287, %add3A_304 : vector<16xf32>
          %add3A_307 = arith.addf %mul3A_305, %mul3A_306 : vector<16xf32>
          %mul3A_308 = arith.mulf %get3A_293, %add3A_307 : vector<16xf32>
          %swap3A = arith.index_cast %scan3A_237 : i32 to index
          %swap3A_309 = arith.index_cast %mul3A_245 : i32 to index
          %swap3A_310 = tpu.vector_load %arg13[%swap3A, %swap3A_309] {strides = array<i32>} : memref<8x128xf32, #tpu.memory_space<vmem>>, vector<1x16xf32>,
          %swap3A_311 = vector.shape_cast %swap3A_310 : vector<1x16xf32> to vector<16xf32>
          %swap3A_312 = vector.shape_cast %mul3A_308 : vector<16xf32> to vector<1x16xf32>
          tpu.vector_store %arg13[%swap3A, %swap3A_309], %swap3A_312 {strides = array<i32>} : memref<8x128xf32, #tpu.memory_space<vmem>>, vector<1x16xf32>,
        }
        %scan3A_242 = arith.constant 8 : i32
      }
      %scan3A_198 = arith.constant 8 : i32
      "tpu.region"() ({
        %run_scoped3A = tpu.sem_alloc : memref<!tpu.dma_semaphore, #tpu.memory_space<semaphore_mem>>
        %dma_start3A = arith.constant 0 : i32
        %dma_start3A_237 = arith.constant 0 : i32
        %dma_start3A_238 = tpu.memref_slice %arg4[%add3A_162, %dma_start3A, %dma_start3A_237] : memref<1024x8x128xf32, #tpu.memory_space<hbm>> -> memref<1x8x128xf32, #tpu.memory_space<hbm>>
        %dma_start3A_239 = tpu.memref_squeeze %dma_start3A_238 : memref<1x8x128xf32, #tpu.memory_space<hbm>> -> memref<8x128xf32, #tpu.memory_space<hbm>>
        %dma_start3A_240 = arith.constant 0 : i32
        %dma_start3A_241 = arith.constant 0 : i32
        %dma_start3A_242 = tpu.memref_slice %arg4[%add3A_162, %dma_start3A_240, %dma_start3A_241] : memref<1024x8x128xf32, #tpu.memory_space<hbm>> -> memref<1x8x128xf32, #tpu.memory_space<hbm>>
        %dma_start3A_243 = tpu.memref_squeeze %dma_start3A_242 : memref<1x8x128xf32, #tpu.memory_space<hbm>> -> memref<8x128xf32, #tpu.memory_space<hbm>>
        tpu.enqueue_dma source(%arg13 : memref<8x128xf32, #tpu.memory_space<vmem>>) target(%dma_start3A_243 : memref<8x128xf32, #tpu.memory_space<hbm>>) target_semaphore(%run_scoped3A : memref<!tpu.dma_semaphore, #tpu.memory_space<semaphore_mem>>)
        %dma_wait3A = arith.constant 0 : i32
        %dma_wait3A_244 = arith.constant 0 : i32
        %dma_wait3A_245 = tpu.memref_slice %arg4[%add3A_162, %dma_wait3A, %dma_wait3A_244] : memref<1024x8x128xf32, #tpu.memory_space<hbm>> -> memref<1x8x128xf32, #tpu.memory_space<hbm>>
        %dma_wait3A_246 = tpu.memref_squeeze %dma_wait3A_245 : memref<1x8x128xf32, #tpu.memory_space<hbm>> -> memref<8x128xf32, #tpu.memory_space<hbm>>
        %dma_wait3A_247 = arith.constant 0 : i32
        %dma_wait3A_248 = arith.constant 0 : i32
        %dma_wait3A_249 = tpu.memref_slice %arg4[%add3A_162, %dma_wait3A_247, %dma_wait3A_248] : memref<1024x8x128xf32, #tpu.memory_space<hbm>> -> memref<1x8x128xf32, #tpu.memory_space<hbm>>
        %dma_wait3A_250 = tpu.memref_squeeze %dma_wait3A_249 : memref<1x8x128xf32, #tpu.memory_space<hbm>> -> memref<8x128xf32, #tpu.memory_space<hbm>>
        tpu.wait_dma2 semaphore(%run_scoped3A : memref<!tpu.dma_semaphore, #tpu.memory_space<semaphore_mem>>) src(%arg13 : memref<8x128xf32, #tpu.memory_space<vmem>>) dst(%dma_wait3A_250 : memref<8x128xf32, #tpu.memory_space<hbm>>)
        tpu.yield
      }) : () -> ()
      %add3A_199 = arith.constant 2 : i32
      %add3A_200 = arith.addi %add3A_162, %add3A_199 : i32
      %broadcast_in_dim3A_201 = vector.broadcast %add3A_200 : i32 to vector<16xi32>
      %convert_element_type3A_202 = arith.sitofp %broadcast_in_dim3A_201 : vector<16xi32> to vector<16xf32>
      %div3A_203 = arith.constant 1.023000e+03 : f32
      %div3A_204 = vector.broadcast %div3A_203 : f32 to vector<16xf32>
      %div3A_205 = arith.divf %convert_element_type3A_202, %div3A_204 : vector<16xf32>
      %bitcast_convert_type3A_206 = tpu.bitcast %div3A_205 : vector<16xf32> -> vector<16xi32>
      %add3A_207 = arith.constant 32767 : i32
      %add3A_208 = vector.broadcast %add3A_207 : i32 to vector<16xi32>
      %add3A_209 = arith.addi %bitcast_convert_type3A_206, %add3A_208 : vector<16xi32>
      %shift_right_logical3A_210 = arith.constant 16 : i32
      %shift_right_logical3A_211 = vector.broadcast %shift_right_logical3A_210 : i32 to vector<16xi32>
      %shift_right_logical3A_212 = arith.shrui %bitcast_convert_type3A_206, %shift_right_logical3A_211 : vector<16xi32>
      %and3A_213 = arith.constant 1 : i32
      %and3A_214 = vector.broadcast %and3A_213 : i32 to vector<16xi32>
      %and3A_215 = arith.andi %shift_right_logical3A_212, %and3A_214 : vector<16xi32>
      %add3A_216 = arith.addi %add3A_209, %and3A_215 : vector<16xi32>
      %and3A_217 = arith.constant -65536 : i32
      %and3A_218 = vector.broadcast %and3A_217 : i32 to vector<16xi32>
      %and3A_219 = arith.andi %add3A_216, %and3A_218 : vector<16xi32>
      %bitcast_convert_type3A_220 = tpu.bitcast %and3A_219 : vector<16xi32> -> vector<16xf32>
      %mul3A_221 = arith.mulf %bitcast_convert_type3A_40, %bitcast_convert_type3A_220 : vector<16xf32>
      %mul3A_222 = arith.mulf %bitcast_convert_type3A_100, %bitcast_convert_type3A_220 : vector<16xf32>
      %scan3A_223 = arith.constant 0 : i32
      %scan3A_224 = arith.constant 0 : i32
      %scan3A_225 = arith.constant 8 : i32
      %scan3A_226 = arith.addi %scan3A_224, %scan3A_225 : i32
      %scan3A_227 = arith.constant 1 : i32
      scf.for %scan3A_237 = %scan3A_224 to %scan3A_226 step %scan3A_227  : i32 {
        %scan3A_238 = arith.constant 0 : i32
        %scan3A_239 = arith.constant 8 : i32
        %scan3A_240 = arith.addi %scan3A_238, %scan3A_239 : i32
        %scan3A_241 = arith.constant 1 : i32
        scf.for %scan3A_243 = %scan3A_238 to %scan3A_240 step %scan3A_241  : i32 {
          %mul3A_244 = arith.constant 16 : i32
          %mul3A_245 = arith.muli %scan3A_243, %mul3A_244 : i32
          %get3A_246 = arith.constant 0 : i32
          %get3A_247 = arith.index_cast %get3A_246 : i32 to index
          %get3A_248 = arith.index_cast %scan3A_237 : i32 to index
          %get3A_249 = arith.index_cast %mul3A_245 : i32 to index
          %get3A_250 = tpu.vector_load %arg7[%get3A_247, %get3A_248, %get3A_249] {strides = array<i32>} : memref<2x8x128xf32, #tpu.memory_space<vmem>>, vector<1x1x16xf32>,
          %get3A_251 = vector.shape_cast %get3A_250 : vector<1x1x16xf32> to vector<16xf32>
          %add3A_252 = arith.addf %get3A_251, %mul3A_221 : vector<16xf32>
          %add3A_253 = arith.addf %add3A_252, %bitcast_convert_type3A_60 : vector<16xf32>
          %mul3A_254 = arith.constant 1.023000e+03 : f32
          %mul3A_255 = vector.broadcast %mul3A_254 : f32 to vector<16xf32>
          %mul3A_256 = arith.mulf %add3A_253, %mul3A_255 : vector<16xf32>
          %get3A_257 = arith.constant 1 : i32
          %get3A_258 = arith.index_cast %get3A_257 : i32 to index
          %get3A_259 = arith.index_cast %scan3A_237 : i32 to index
          %get3A_260 = arith.index_cast %mul3A_245 : i32 to index
          %get3A_261 = tpu.vector_load %arg7[%get3A_258, %get3A_259, %get3A_260] {strides = array<i32>} : memref<2x8x128xf32, #tpu.memory_space<vmem>>, vector<1x1x16xf32>,
          %get3A_262 = vector.shape_cast %get3A_261 : vector<1x1x16xf32> to vector<16xf32>
          %add3A_263 = arith.addf %get3A_262, %mul3A_222 : vector<16xf32>
          %add3A_264 = arith.addf %add3A_263, %bitcast_convert_type3A_120 : vector<16xf32>
          %mul3A_265 = arith.constant 1.023000e+03 : f32
          %mul3A_266 = vector.broadcast %mul3A_265 : f32 to vector<16xf32>
          %mul3A_267 = arith.mulf %add3A_264, %mul3A_266 : vector<16xf32>
          %convert_element_type3A_268 = arith.fptosi %mul3A_256 : vector<16xf32> to vector<16xi32>
          %jit3A = arith.constant 0 : i32
          %jit3A_269 = arith.constant 1022 : i32
          %max3A = vector.broadcast %jit3A : i32 to vector<16xi32>
          %max3A_270 = arith.maxsi %max3A, %convert_element_type3A_268 : vector<16xi32>
          %min3A = vector.broadcast %jit3A_269 : i32 to vector<16xi32>
          %min3A_271 = arith.minsi %min3A, %max3A_270 : vector<16xi32>
          %convert_element_type3A_272 = arith.fptosi %mul3A_267 : vector<16xf32> to vector<16xi32>
          %jit3A_273 = arith.constant 0 : i32
          %jit3A_274 = arith.constant 1022 : i32
          %max3A_275 = vector.broadcast %jit3A_273 : i32 to vector<16xi32>
          %max3A_276 = arith.maxsi %max3A_275, %convert_element_type3A_272 : vector<16xi32>
          %min3A_277 = vector.broadcast %jit3A_274 : i32 to vector<16xi32>
          %min3A_278 = arith.minsi %min3A_277, %max3A_276 : vector<16xi32>
          %convert_element_type3A_279 = arith.sitofp %min3A_271 : vector<16xi32> to vector<16xf32>
          %sub3A = arith.subf %mul3A_256, %convert_element_type3A_279 : vector<16xf32>
          %convert_element_type3A_280 = arith.sitofp %min3A_278 : vector<16xi32> to vector<16xf32>
          %sub3A_281 = arith.subf %mul3A_267, %convert_element_type3A_280 : vector<16xf32>
          %ge3A = arith.constant 0.000000e+00 : f32
          %ge3A_282 = vector.broadcast %ge3A : f32 to vector<16xf32>
          %ge3A_283 = arith.cmpf oge, %mul3A_256, %ge3A_282 : vector<16xf32>
          %lt3A = arith.constant 1.023000e+03 : f32
          %lt3A_284 = vector.broadcast %lt3A : f32 to vector<16xf32>
          %lt3A_285 = arith.cmpf olt, %mul3A_256, %lt3A_284 : vector<16xf32>
          %and3A_286 = arith.andi %ge3A_283, %lt3A_285 : vector<16xi1>
          %ge3A_287 = arith.constant 0.000000e+00 : f32
          %ge3A_288 = vector.broadcast %ge3A_287 : f32 to vector<16xf32>
          %ge3A_289 = arith.cmpf oge, %mul3A_267, %ge3A_288 : vector<16xf32>
          %and3A_290 = arith.andi %and3A_286, %ge3A_289 : vector<16xi1>
          %lt3A_291 = arith.constant 1.023000e+03 : f32
          %lt3A_292 = vector.broadcast %lt3A_291 : f32 to vector<16xf32>
          %lt3A_293 = arith.cmpf olt, %mul3A_267, %lt3A_292 : vector<16xf32>
          %and3A_294 = arith.andi %and3A_290, %lt3A_293 : vector<16xi1>
          %jit3A_295 = arith.constant 1.000000e+00 : f32
          %jit3A_296 = arith.constant 0.000000e+00 : f32
          %broadcast_in_dim3A_297 = vector.broadcast %jit3A_295 : f32 to vector<16xf32>
          %broadcast_in_dim3A_298 = vector.broadcast %jit3A_296 : f32 to vector<16xf32>
          %select_n3A = arith.select %and3A_294, %broadcast_in_dim3A_297, %broadcast_in_dim3A_298 : vector<16xi1>, vector<16xf32>
          %mul3A_299 = arith.constant 1024 : i32
          %mul3A_300 = vector.broadcast %mul3A_299 : i32 to vector<16xi32>
          %mul3A_301 = arith.muli %min3A_278, %mul3A_300 : vector<16xi32>
          %add3A_302 = arith.addi %mul3A_301, %min3A_271 : vector<16xi32>
          %swap3A = arith.constant 0 : i32
          %swap3A_303 = arith.index_cast %swap3A : i32 to index
          %swap3A_304 = arith.index_cast %scan3A_237 : i32 to index
          %swap3A_305 = arith.index_cast %mul3A_245 : i32 to index
          %swap3A_306 = tpu.vector_load %arg8[%swap3A_303, %swap3A_304, %swap3A_305] {strides = array<i32>} : memref<2x32x128xi32, #tpu.memory_space<vmem>>, vector<1x1x16xi32>,
          %swap3A_307 = vector.shape_cast %swap3A_306 : vector<1x1x16xi32> to vector<16xi32>
          %swap3A_308 = vector.shape_cast %add3A_302 : vector<16xi32> to vector<1x1x16xi32>
          tpu.vector_store %arg8[%swap3A_303, %swap3A_304, %swap3A_305], %swap3A_308 {strides = array<i32>} : memref<2x32x128xi32, #tpu.memory_space<vmem>>, vector<1x1x16xi32>,
          %add3A_309 = arith.constant 1 : i32
          %add3A_310 = vector.broadcast %add3A_309 : i32 to vector<16xi32>
          %add3A_311 = arith.addi %add3A_302, %add3A_310 : vector<16xi32>
          %add3A_312 = arith.constant 8 : i32
          %add3A_313 = arith.addi %add3A_312, %scan3A_237 : i32
          %swap3A_314 = arith.constant 0 : i32
          %swap3A_315 = arith.index_cast %swap3A_314 : i32 to index
          %swap3A_316 = arith.index_cast %add3A_313 : i32 to index
          %swap3A_317 = arith.index_cast %mul3A_245 : i32 to index
          %swap3A_318 = tpu.vector_load %arg8[%swap3A_315, %swap3A_316, %swap3A_317] {strides = array<i32>} : memref<2x32x128xi32, #tpu.memory_space<vmem>>, vector<1x1x16xi32>,
          %swap3A_319 = vector.shape_cast %swap3A_318 : vector<1x1x16xi32> to vector<16xi32>
          %swap3A_320 = vector.shape_cast %add3A_311 : vector<16xi32> to vector<1x1x16xi32>
          tpu.vector_store %arg8[%swap3A_315, %swap3A_316, %swap3A_317], %swap3A_320 {strides = array<i32>} : memref<2x32x128xi32, #tpu.memory_space<vmem>>, vector<1x1x16xi32>,
          %add3A_321 = arith.constant 1024 : i32
          %add3A_322 = vector.broadcast %add3A_321 : i32 to vector<16xi32>
          %add3A_323 = arith.addi %add3A_302, %add3A_322 : vector<16xi32>
          %add3A_324 = arith.constant 16 : i32
          %add3A_325 = arith.addi %add3A_324, %scan3A_237 : i32
          %swap3A_326 = arith.constant 0 : i32
          %swap3A_327 = arith.index_cast %swap3A_326 : i32 to index
          %swap3A_328 = arith.index_cast %add3A_325 : i32 to index
          %swap3A_329 = arith.index_cast %mul3A_245 : i32 to index
          %swap3A_330 = tpu.vector_load %arg8[%swap3A_327, %swap3A_328, %swap3A_329] {strides = array<i32>} : memref<2x32x128xi32, #tpu.memory_space<vmem>>, vector<1x1x16xi32>,
          %swap3A_331 = vector.shape_cast %swap3A_330 : vector<1x1x16xi32> to vector<16xi32>
          %swap3A_332 = vector.shape_cast %add3A_323 : vector<16xi32> to vector<1x1x16xi32>
          tpu.vector_store %arg8[%swap3A_327, %swap3A_328, %swap3A_329], %swap3A_332 {strides = array<i32>} : memref<2x32x128xi32, #tpu.memory_space<vmem>>, vector<1x1x16xi32>,
          %add3A_333 = arith.constant 1024 : i32
          %add3A_334 = vector.broadcast %add3A_333 : i32 to vector<16xi32>
          %add3A_335 = arith.addi %add3A_302, %add3A_334 : vector<16xi32>
          %add3A_336 = arith.constant 1 : i32
          %add3A_337 = vector.broadcast %add3A_336 : i32 to vector<16xi32>
          %add3A_338 = arith.addi %add3A_335, %add3A_337 : vector<16xi32>
          %add3A_339 = arith.constant 24 : i32
          %add3A_340 = arith.addi %add3A_339, %scan3A_237 : i32
          %swap3A_341 = arith.constant 0 : i32
          %swap3A_342 = arith.index_cast %swap3A_341 : i32 to index
          %swap3A_343 = arith.index_cast %add3A_340 : i32 to index
          %swap3A_344 = arith.index_cast %mul3A_245 : i32 to index
          %swap3A_345 = tpu.vector_load %arg8[%swap3A_342, %swap3A_343, %swap3A_344] {strides = array<i32>} : memref<2x32x128xi32, #tpu.memory_space<vmem>>, vector<1x1x16xi32>,
          %swap3A_346 = vector.shape_cast %swap3A_345 : vector<1x1x16xi32> to vector<16xi32>
          %swap3A_347 = vector.shape_cast %add3A_338 : vector<16xi32> to vector<1x1x16xi32>
          tpu.vector_store %arg8[%swap3A_342, %swap3A_343, %swap3A_344], %swap3A_347 {strides = array<i32>} : memref<2x32x128xi32, #tpu.memory_space<vmem>>, vector<1x1x16xi32>,
          %swap3A_348 = arith.constant 0 : i32
          %swap3A_349 = arith.index_cast %swap3A_348 : i32 to index
          %swap3A_350 = arith.index_cast %scan3A_237 : i32 to index
          %swap3A_351 = arith.index_cast %mul3A_245 : i32 to index
          %swap3A_352 = tpu.vector_load %arg10[%swap3A_349, %swap3A_350, %swap3A_351] {strides = array<i32>} : memref<2x8x128xf32, #tpu.memory_space<vmem>>, vector<1x1x16xf32>,
          %swap3A_353 = vector.shape_cast %swap3A_352 : vector<1x1x16xf32> to vector<16xf32>
          %swap3A_354 = vector.shape_cast %sub3A : vector<16xf32> to vector<1x1x16xf32>
          tpu.vector_store %arg10[%swap3A_349, %swap3A_350, %swap3A_351], %swap3A_354 {strides = array<i32>} : memref<2x8x128xf32, #tpu.memory_space<vmem>>, vector<1x1x16xf32>,
          %swap3A_355 = arith.constant 0 : i32
          %swap3A_356 = arith.index_cast %swap3A_355 : i32 to index
          %swap3A_357 = arith.index_cast %scan3A_237 : i32 to index
          %swap3A_358 = arith.index_cast %mul3A_245 : i32 to index
          %swap3A_359 = tpu.vector_load %arg11[%swap3A_356, %swap3A_357, %swap3A_358] {strides = array<i32>} : memref<2x8x128xf32, #tpu.memory_space<vmem>>, vector<1x1x16xf32>,
          %swap3A_360 = vector.shape_cast %swap3A_359 : vector<1x1x16xf32> to vector<16xf32>
          %swap3A_361 = vector.shape_cast %sub3A_281 : vector<16xf32> to vector<1x1x16xf32>
          tpu.vector_store %arg11[%swap3A_356, %swap3A_357, %swap3A_358], %swap3A_361 {strides = array<i32>} : memref<2x8x128xf32, #tpu.memory_space<vmem>>, vector<1x1x16xf32>,
          %swap3A_362 = arith.constant 0 : i32
          %swap3A_363 = arith.index_cast %swap3A_362 : i32 to index
          %swap3A_364 = arith.index_cast %scan3A_237 : i32 to index
          %swap3A_365 = arith.index_cast %mul3A_245 : i32 to index
          %swap3A_366 = tpu.vector_load %arg12[%swap3A_363, %swap3A_364, %swap3A_365] {strides = array<i32>} : memref<2x8x128xf32, #tpu.memory_space<vmem>>, vector<1x1x16xf32>,
          %swap3A_367 = vector.shape_cast %swap3A_366 : vector<1x1x16xf32> to vector<16xf32>
          %swap3A_368 = vector.shape_cast %select_n3A : vector<16xf32> to vector<1x1x16xf32>
          tpu.vector_store %arg12[%swap3A_363, %swap3A_364, %swap3A_365], %swap3A_368 {strides = array<i32>} : memref<2x8x128xf32, #tpu.memory_space<vmem>>, vector<1x1x16xf32>,
        }
        %scan3A_242 = arith.constant 8 : i32
      }
      %scan3A_228 = arith.constant 8 : i32
      %add3A_229 = arith.constant 1 : i32
      %add3A_230 = arith.addi %add3A_162, %add3A_229 : i32
      %scan3A_231 = arith.constant 0 : i32
      %scan3A_232 = arith.constant 0 : i32
      %scan3A_233 = arith.constant 8 : i32
      %scan3A_234 = arith.addi %scan3A_232, %scan3A_233 : i32
      %scan3A_235 = arith.constant 1 : i32
      scf.for %scan3A_237 = %scan3A_232 to %scan3A_234 step %scan3A_235  : i32 {
        %scan3A_238 = arith.constant 0 : i32
        %scan3A_239 = arith.constant 8 : i32
        %scan3A_240 = arith.addi %scan3A_238, %scan3A_239 : i32
        %scan3A_241 = arith.constant 1 : i32
        scf.for %scan3A_243 = %scan3A_238 to %scan3A_240 step %scan3A_241  : i32 {
          %mul3A_244 = arith.constant 16 : i32
          %mul3A_245 = arith.muli %scan3A_243, %mul3A_244 : i32
          %get3A_246 = arith.constant 1 : i32
          %get3A_247 = arith.index_cast %get3A_246 : i32 to index
          %get3A_248 = arith.index_cast %scan3A_237 : i32 to index
          %get3A_249 = arith.index_cast %mul3A_245 : i32 to index
          %get3A_250 = tpu.vector_load %arg9[%get3A_247, %get3A_248, %get3A_249] {strides = array<i32>} : memref<2x32x128xf32, #tpu.memory_space<vmem>>, vector<1x1x16xf32>,
          %get3A_251 = vector.shape_cast %get3A_250 : vector<1x1x16xf32> to vector<16xf32>
          %add3A_252 = arith.constant 8 : i32
          %add3A_253 = arith.addi %add3A_252, %scan3A_237 : i32
          %get3A_254 = arith.constant 1 : i32
          %get3A_255 = arith.index_cast %get3A_254 : i32 to index
          %get3A_256 = arith.index_cast %add3A_253 : i32 to index
          %get3A_257 = arith.index_cast %mul3A_245 : i32 to index
          %get3A_258 = tpu.vector_load %arg9[%get3A_255, %get3A_256, %get3A_257] {strides = array<i32>} : memref<2x32x128xf32, #tpu.memory_space<vmem>>, vector<1x1x16xf32>,
          %get3A_259 = vector.shape_cast %get3A_258 : vector<1x1x16xf32> to vector<16xf32>
          %add3A_260 = arith.constant 16 : i32
          %add3A_261 = arith.addi %add3A_260, %scan3A_237 : i32
          %get3A_262 = arith.constant 1 : i32
          %get3A_263 = arith.index_cast %get3A_262 : i32 to index
          %get3A_264 = arith.index_cast %add3A_261 : i32 to index
          %get3A_265 = arith.index_cast %mul3A_245 : i32 to index
          %get3A_266 = tpu.vector_load %arg9[%get3A_263, %get3A_264, %get3A_265] {strides = array<i32>} : memref<2x32x128xf32, #tpu.memory_space<vmem>>, vector<1x1x16xf32>,
          %get3A_267 = vector.shape_cast %get3A_266 : vector<1x1x16xf32> to vector<16xf32>
          %add3A_268 = arith.constant 24 : i32
          %add3A_269 = arith.addi %add3A_268, %scan3A_237 : i32
          %get3A_270 = arith.constant 1 : i32
          %get3A_271 = arith.index_cast %get3A_270 : i32 to index
          %get3A_272 = arith.index_cast %add3A_269 : i32 to index
          %get3A_273 = arith.index_cast %mul3A_245 : i32 to index
          %get3A_274 = tpu.vector_load %arg9[%get3A_271, %get3A_272, %get3A_273] {strides = array<i32>} : memref<2x32x128xf32, #tpu.memory_space<vmem>>, vector<1x1x16xf32>,
          %get3A_275 = vector.shape_cast %get3A_274 : vector<1x1x16xf32> to vector<16xf32>
          %get3A_276 = arith.constant 1 : i32
          %get3A_277 = arith.index_cast %get3A_276 : i32 to index
          %get3A_278 = arith.index_cast %scan3A_237 : i32 to index
          %get3A_279 = arith.index_cast %mul3A_245 : i32 to index
          %get3A_280 = tpu.vector_load %arg10[%get3A_277, %get3A_278, %get3A_279] {strides = array<i32>} : memref<2x8x128xf32, #tpu.memory_space<vmem>>, vector<1x1x16xf32>,
          %get3A_281 = vector.shape_cast %get3A_280 : vector<1x1x16xf32> to vector<16xf32>
          %get3A_282 = arith.constant 1 : i32
          %get3A_283 = arith.index_cast %get3A_282 : i32 to index
          %get3A_284 = arith.index_cast %scan3A_237 : i32 to index
          %get3A_285 = arith.index_cast %mul3A_245 : i32 to index
          %get3A_286 = tpu.vector_load %arg11[%get3A_283, %get3A_284, %get3A_285] {strides = array<i32>} : memref<2x8x128xf32, #tpu.memory_space<vmem>>, vector<1x1x16xf32>,
          %get3A_287 = vector.shape_cast %get3A_286 : vector<1x1x16xf32> to vector<16xf32>
          %get3A_288 = arith.constant 1 : i32
          %get3A_289 = arith.index_cast %get3A_288 : i32 to index
          %get3A_290 = arith.index_cast %scan3A_237 : i32 to index
          %get3A_291 = arith.index_cast %mul3A_245 : i32 to index
          %get3A_292 = tpu.vector_load %arg12[%get3A_289, %get3A_290, %get3A_291] {strides = array<i32>} : memref<2x8x128xf32, #tpu.memory_space<vmem>>, vector<1x1x16xf32>,
          %get3A_293 = vector.shape_cast %get3A_292 : vector<1x1x16xf32> to vector<16xf32>
          %sub3A = arith.constant 1.000000e+00 : f32
          %sub3A_294 = vector.broadcast %sub3A : f32 to vector<16xf32>
          %sub3A_295 = arith.subf %sub3A_294, %get3A_281 : vector<16xf32>
          %sub3A_296 = arith.constant 1.000000e+00 : f32
          %sub3A_297 = vector.broadcast %sub3A_296 : f32 to vector<16xf32>
          %sub3A_298 = arith.subf %sub3A_297, %get3A_287 : vector<16xf32>
          %mul3A_299 = arith.mulf %sub3A_295, %get3A_251 : vector<16xf32>
          %mul3A_300 = arith.mulf %get3A_281, %get3A_259 : vector<16xf32>
          %add3A_301 = arith.addf %mul3A_299, %mul3A_300 : vector<16xf32>
          %mul3A_302 = arith.mulf %sub3A_295, %get3A_267 : vector<16xf32>
          %mul3A_303 = arith.mulf %get3A_281, %get3A_275 : vector<16xf32>
          %add3A_304 = arith.addf %mul3A_302, %mul3A_303 : vector<16xf32>
          %mul3A_305 = arith.mulf %sub3A_298, %add3A_301 : vector<16xf32>
          %mul3A_306 = arith.mulf %get3A_287, %add3A_304 : vector<16xf32>
          %add3A_307 = arith.addf %mul3A_305, %mul3A_306 : vector<16xf32>
          %mul3A_308 = arith.mulf %get3A_293, %add3A_307 : vector<16xf32>
          %swap3A = arith.index_cast %scan3A_237 : i32 to index
          %swap3A_309 = arith.index_cast %mul3A_245 : i32 to index
          %swap3A_310 = tpu.vector_load %arg13[%swap3A, %swap3A_309] {strides = array<i32>} : memref<8x128xf32, #tpu.memory_space<vmem>>, vector<1x16xf32>,
          %swap3A_311 = vector.shape_cast %swap3A_310 : vector<1x16xf32> to vector<16xf32>
          %swap3A_312 = vector.shape_cast %mul3A_308 : vector<16xf32> to vector<1x16xf32>
          tpu.vector_store %arg13[%swap3A, %swap3A_309], %swap3A_312 {strides = array<i32>} : memref<8x128xf32, #tpu.memory_space<vmem>>, vector<1x16xf32>,
        }
        %scan3A_242 = arith.constant 8 : i32
      }
      %scan3A_236 = arith.constant 8 : i32
      "tpu.region"() ({
        %run_scoped3A = tpu.sem_alloc : memref<!tpu.dma_semaphore, #tpu.memory_space<semaphore_mem>>
        %dma_start3A = arith.constant 0 : i32
        %dma_start3A_237 = arith.constant 0 : i32
        %dma_start3A_238 = tpu.memref_slice %arg4[%add3A_230, %dma_start3A, %dma_start3A_237] : memref<1024x8x128xf32, #tpu.memory_space<hbm>> -> memref<1x8x128xf32, #tpu.memory_space<hbm>>
        %dma_start3A_239 = tpu.memref_squeeze %dma_start3A_238 : memref<1x8x128xf32, #tpu.memory_space<hbm>> -> memref<8x128xf32, #tpu.memory_space<hbm>>
        %dma_start3A_240 = arith.constant 0 : i32
        %dma_start3A_241 = arith.constant 0 : i32
        %dma_start3A_242 = tpu.memref_slice %arg4[%add3A_230, %dma_start3A_240, %dma_start3A_241] : memref<1024x8x128xf32, #tpu.memory_space<hbm>> -> memref<1x8x128xf32, #tpu.memory_space<hbm>>
        %dma_start3A_243 = tpu.memref_squeeze %dma_start3A_242 : memref<1x8x128xf32, #tpu.memory_space<hbm>> -> memref<8x128xf32, #tpu.memory_space<hbm>>
        tpu.enqueue_dma source(%arg13 : memref<8x128xf32, #tpu.memory_space<vmem>>) target(%dma_start3A_243 : memref<8x128xf32, #tpu.memory_space<hbm>>) target_semaphore(%run_scoped3A : memref<!tpu.dma_semaphore, #tpu.memory_space<semaphore_mem>>)
        %dma_wait3A = arith.constant 0 : i32
        %dma_wait3A_244 = arith.constant 0 : i32
        %dma_wait3A_245 = tpu.memref_slice %arg4[%add3A_230, %dma_wait3A, %dma_wait3A_244] : memref<1024x8x128xf32, #tpu.memory_space<hbm>> -> memref<1x8x128xf32, #tpu.memory_space<hbm>>
        %dma_wait3A_246 = tpu.memref_squeeze %dma_wait3A_245 : memref<1x8x128xf32, #tpu.memory_space<hbm>> -> memref<8x128xf32, #tpu.memory_space<hbm>>
        %dma_wait3A_247 = arith.constant 0 : i32
        %dma_wait3A_248 = arith.constant 0 : i32
        %dma_wait3A_249 = tpu.memref_slice %arg4[%add3A_230, %dma_wait3A_247, %dma_wait3A_248] : memref<1024x8x128xf32, #tpu.memory_space<hbm>> -> memref<1x8x128xf32, #tpu.memory_space<hbm>>
        %dma_wait3A_250 = tpu.memref_squeeze %dma_wait3A_249 : memref<1x8x128xf32, #tpu.memory_space<hbm>> -> memref<8x128xf32, #tpu.memory_space<hbm>>
        tpu.wait_dma2 semaphore(%run_scoped3A : memref<!tpu.dma_semaphore, #tpu.memory_space<semaphore_mem>>) src(%arg13 : memref<8x128xf32, #tpu.memory_space<vmem>>) dst(%dma_wait3A_250 : memref<8x128xf32, #tpu.memory_space<hbm>>)
        tpu.yield
      }) : () -> ()
    }
    %scan3A_158 = arith.constant 16 : i32
    return
  }
}

</mosaic_0001>

<sc_bundles>
// kernel: kernel.3.cloned.1.call-start
scs
__scs_entry_jumppad:
0x0: {  	(pc) =	sbr.rel $0x88, $3  }
0x1: {  	(tag) =	ssettag $0x0;
	lr =	simm.s32 $0x1  }
0x2: {  	[smem:$0x3F9F] =	sst lr;
	_ =	strace $0xD0000000  }
0x3: {  	_ = 	snop  }
0x4: {  	_ = 	snop  }
0x5: {  	_ = 	snop  }
0x6: {  	_ = 	snop  }
0x7: {  	_ = 	snop  }
__scs_overlays_trampoline_lowered:
0x8: {  	[smem:$0x3FAE] =	sst s0  }
0x9: {  	[smem:$0x3FAF] =	sst s1  }
0xa: {  	[smem:$0x3FB0] =	sst s2  }
0xb: {  	[smem:$0x3FB1] =	sst s3  }
0xc: {  	[smem:$0x3FB2] =	sst s4  }
0xd: {  	[smem:$0x3FB3] =	sst s5  }
0xe: {  	[smem:$0x3FB4] =	sst s6  }
0xf: {  	[smem:$0x3FB5] =	sst s7  }
0x10: {  	[smem:$0x3FB6] =	sst s8  }
0x11: {  	[smem:$0x3FB7] =	sst s9;
	s0 =	simm.s32 @!p0 $0x0  }
0x12: {  	s1 =	sld [smem:$0x3F9D];
	s0 =	simm.s32 @p0 $0x1  }
0x13: {  	[smem:$0x3FB8] =	sst s0;
	s0 =	simm.s32 @!p1 $0x0  }
0x14: {  	s2 =	sld [smem:$0x3F9C];
	s0 =	simm.s32 @p1 $0x1  }
0x15: {  	[smem:$0x3FB9] =	sst s0;
	s0 =	simm.s32 @!p2 $0x0  }
0x16: {  	s3 =	sld [smem:$0x3FDB];
	s0 =	simm.s32 @p2 $0x1  }
0x17: {  	s4 =	simm.s32 $0x1BF5;
	[smem:$0x3FBB] =	sst s0  }
0x18: {  	s0 =	sld [smem:$0x3F9E];
	_ =	swait.ge [sflag:s4], $0x0  }
0x19: {  	s7 =	sld [smem:$0x3F9F]  }
0x1a: {  	s8 =	sadd.s32 $0xFFFFE003, lr  }
0x1b: {  	s9 =	sadd.s32 $0xFFFFFEF7, lr;
	s5 =	simm.s32 $0xFFFFFFFF;
	p2 =	slt.u32 s8, $0xFFFFF086  }
0x1c: {  	p1 =	slt.u32 s9, $0xF7A;
	s5 =	simm.s32 @!p2 $0x0  }
0x1d: {  	s5 =	simm.s32 @p1 $0x1;
	p0 =	seq.s32 s7, s2  }
0x1e: {  	s7 =	smul.u32 @!p0 $0xF7A, s2;
	p2 =	seq.s32 @!p0 s5, $0x0  }
0x1f: {  	s9 =	smul.u32 $0xF7A, s1;
	s8 =	simm.s32 @!p0 $0x1BF5;
	p2 =	por !p2, p0  }
0x20: {  	[sflag:s8] =	ssyncset.s32 @!p0 $0xFFFFF086;
	s6 =	sadd.s32 @!p0 s3, s7;
	s7 =	simm.s32 @!p0 $0x108  }
0x21: {  	s3 =	sadd.s32 s3, s9;
	s6 =	sadd.s32 @!p0 $0x88, s6;
	s7 =	simm.s32 @p2 $0x1082  }
0x22: {  	[simem:s7], [sflag:s8] =	dma.local @!p0 [hbm:s6], $0xF7A  }
0x23: {  	s9 =	sor.u32 $0xD0000000, s2;
	s6 =	simm.s32 $0x108;
	_ =	swait.ge @!p0 [sflag:s8], $0x0  }
0x24: {  	s3 =	sadd.s32 $0x88, s3;
	s6 =	simm.s32 @!p1 $0x1082;
	[sflag:s4] =	ssyncset.s32 $0xFFFFF086  }
0x25: {  	[simem:s6], [sflag:s4] =	dma.local [hbm:s3], $0xF7A  }
0x26: {  	[smem:$0x3F9F] =	sst s1;
	(tag) =	ssettag s2;
	_ =	strace s9  }
0x27: {  	s1 =	sld [smem:$0x3FAF]  }
0x28: {  	s2 =	sld [smem:$0x3FB0]  }
0x29: {  	s4 =	sld [smem:$0x3FB2]  }
0x2a: {  	p0 =	seq.s32 s5, $0x0;
	s5 =	sld [smem:$0x3FB3]  }
0x2b: {  	s6 =	sld [smem:$0x3FB4]  }
0x2c: {  	s7 =	sld [smem:$0x3FB5]  }
0x2d: {  	s3 =	simm.s32 $0x108;
	s8 =	sld [smem:$0x3FB6]  }
0x2e: {  	s3 =	simm.s32 @!p0 $0x1082;
	s9 =	sld [smem:$0x3FB7]  }
0x2f: {  	lr =	sadd.s32 s0, s3;
	s0 =	sld [smem:$0x3FAE]  }
0x30: {  	s3 =	sld [smem:$0x3FB1]  }
0x31: {  	[smem:$0x3FBA] =	sst s10  }
0x32: {  	s10 =	sld [smem:$0x3FB8];
	_ =	sdelay $0x3  }
0x33: {  	p0 =	seq.s32 s10, $0x1;
	s10 =	sld [smem:$0x3FBA];
	_ =	sdelay $0x3  }
0x34: {  	[smem:$0x3FBA] =	sst s10  }
0x35: {  	s10 =	sld [smem:$0x3FB9];
	_ =	sdelay $0x3  }
0x36: {  	p1 =	seq.s32 s10, $0x1;
	s10 =	sld [smem:$0x3FBA];
	_ =	sdelay $0x3  }
0x37: {  	[smem:$0x3FBA] =	sst s10  }
0x38: {  	s10 =	sld [smem:$0x3FBB]  }
0x39: {  	_ = 	snop;
	(pc) =	sbr.ind lr, $3  }
0x3a: {  	_ = 	snop  }
0x3b: {  	_ = 	snop  }
0x3c: {  	p2 =	seq.s32 s10, $0x1;
	s10 =	sld [smem:$0x3FBA]  }
0x3d: {  	_ =	shalt  }
0x3e: {  	_ =	shalt  }
0x3f: {  	_ =	shalt  }
0x40: {  	_ =	shalt  }
0x41: {  	_ =	shalt  }
0x42: {  	_ =	shalt  }
0x43: {  	_ =	shalt  }
0x44: {  	_ =	shalt  }
0x45: {  	_ =	shalt  }
0x46: {  	_ =	shalt  }
0x47: {  	_ =	shalt  }
0x48: {  	_ =	shalt  }
0x49: {  	_ =	shalt  }
0x4a: {  	_ =	shalt  }
0x4b: {  	_ =	shalt  }
0x4c: {  	_ =	shalt  }
0x4d: {  	_ =	shalt  }
0x4e: {  	_ =	shalt  }
0x4f: {  	_ =	shalt  }
0x50: {  	_ =	shalt  }
0x51: {  	_ =	shalt  }
0x52: {  	_ =	shalt  }
0x53: {  	_ =	shalt  }
0x54: {  	_ =	shalt  }
0x55: {  	_ =	shalt  }
0x56: {  	_ =	shalt  }
0x57: {  	_ =	shalt  }
0x58: {  	_ =	shalt  }
0x59: {  	_ =	shalt  }
0x5a: {  	_ =	shalt  }
0x5b: {  	_ =	shalt  }
0x5c: {  	_ =	shalt  }
0x5d: {  	_ =	shalt  }
0x5e: {  	_ =	shalt  }
0x5f: {  	_ =	shalt  }
0x60: {  	_ =	shalt  }
0x61: {  	_ =	shalt  }
0x62: {  	_ =	shalt  }
0x63: {  	_ =	shalt  }
0x64: {  	_ =	shalt  }
0x65: {  	_ =	shalt  }
0x66: {  	_ =	shalt  }
0x67: {  	_ =	shalt  }
0x68: {  	_ =	shalt  }
0x69: {  	_ =	shalt  }
0x6a: {  	_ =	shalt  }
0x6b: {  	_ =	shalt  }
0x6c: {  	_ =	shalt  }
0x6d: {  	_ =	shalt  }
0x6e: {  	_ =	shalt  }
0x6f: {  	_ =	shalt  }
0x70: {  	_ =	shalt  }
0x71: {  	_ =	shalt  }
0x72: {  	_ =	shalt  }
0x73: {  	_ =	shalt  }
0x74: {  	_ =	shalt  }
0x75: {  	_ =	shalt  }
0x76: {  	_ =	shalt  }
0x77: {  	_ =	shalt  }
0x78: {  	_ =	shalt  }
0x79: {  	_ =	shalt  }
0x7a: {  	_ =	shalt  }
0x7b: {  	_ =	shalt  }
0x7c: {  	_ =	shalt  }
0x7d: {  	_ =	shalt  }
0x7e: {  	_ =	shalt  }
0x7f: {  	_ =	shalt  }
0x80: {  	_ =	shalt  }
0x81: {  	_ =	shalt  }
0x82: {  	_ =	shalt  }
0x83: {  	_ =	shalt  }
0x84: {  	_ =	shalt  }
0x85: {  	_ =	shalt  }
0x86: {  	_ =	shalt  }
0x87: {  	_ =	shalt  }
.Lfunc_end0:
.L_simem_size_0:
called_computation_lowered:
.L_overlay_start_0:
0x88: {  	s2 =	sld [smem:$0x3FD9]  }
0x89: {  	s3 =	sld [smem:$0x3FFE];
	_ =	sdelay $0x1  }
0x8a: {  	s1 =	srdreg.scid  }
0x8b: {  	s0 =	sand.u32 $0x1, s1  }
0x8c: {  	s17 =	sshll.u32 s0, $0xA;
	s2 =	sadd.s32 s3, s2  }
0x8d: {  	s2 =	sadd.s32 s2, s17  }
0x8e: {  	[smem:$0x3FC6] =	sst s2  }
0x8f: {  	_ = 	snop  }
0x90: {  	s2 =	sld [smem:$0x3FC9]  }
0x91: {  	s18 =	sld [smem:$0x3FD0];
	(tm) =	ssettm $0x1  }
0x92: {  	s4 =	sld [smem:$0x3FFB];
	_ =	sdelay $0x3  }
0x93: {  	_ =	strace s4  }
0x94: {  	s4 =	sld [smem:$0x3FFC];
	_ =	sdelay $0x3  }
0x95: {  	_ =	strace s4  }
0x96: {  	s4 =	sld [smem:$0x3FFD];
	_ =	sdelay $0x3  }
0x97: {  	_ =	strace s4  }
0x98: {  	_ =	strace $0x8FFFFFFF  }
0x99: {  	s19 =	sld [smem:$0x3FDB];
	_ =	sdelay $0x1  }
0x9a: {  	s5 =	simm.s32 $_scs_section_size  }
0x9b: {  	s6 =	simm.s32 $_size__tile_overlayer_lowered;
	s7 =	simm.s32 $_tile_overlayer_lowered  }
0x9c: {  	s22 =	simm.s32 $0x1BFF;
	s21 =	sshll.u32 s7, $0x1;
	s4 =	sadd.s32 s5, s19  }
0x9d: {  	s8 =	simm.s32 $0x0;
	s20 =	sshll.u32 s6, $0x1;
	s6 =	sadd.s32 s21, s4  }
0x9e: {  	[timem:s8], [sflag:s22] =	dma.local [hbm:s6], s20  }
0x9f: {  	_ =	swait.ge [sflag:s22], s20  }
0xa0: {  	s5 =	ssub.s32 $0x0, s20;
	[sflag:s22] =	ssyncset.done $0x0  }
0xa1: {  	[sflag:s22] =	ssyncadd.s32 s5;
	_ =	sdelay $0x1  }
0xa2: {  	s23 =	simm.s32 $0x1B8B  }
0xa3: {  	_ =	swait.ge [sflag:s23], $0x1  }
0xa4: {  	[sflag:s23] =	ssyncset.done $0x0  }
0xa5: {  	s25 =	simm.s32 $0x1B8E;
	s24 =	sld [smem:$0x3FFE];
	[sflag:s23] =	ssyncadd.s32 $0xFFFFFFFF  }
0xa6: {  	s26 =	simm.s32 $execute0_lowered;
	[smem:$0x3FD2] =	sst s25  }
0xa7: {  	s6 =	sshll.u32 s26, $0x1;
	_ =	strace $0x80000046;
	[dreg:$0x1] =	wrdreg $0xFFFFFFFF  }
0xa8: {  	s28 =	simm.s32 $_size_execute0_lowered;
	s4 =	sadd.s32 s4, s6;
	[dreg:$0x0] =	wrdreg $0x0  }
0xa9: {  	s6 =	sshll.u32 s28, $0x1;
	[dreg:$0x2] =	wrdreg s4  }
0xaa: {  	[dreg:$0x3] =	wrdreg s6  }
0xab: {  	[dreg:$0x4] =	wrdreg $0xC0  }
0xac: {  	_ =	task [dreg:s8], $0x5FFFF  }
0xad: {  	[dreg:$0x1] =	wrdreg $0xFFFFFFFF  }
0xae: {  	[dreg:$0x0] =	wrdreg $0x60  }
0xaf: {  	[dreg:$0x2] =	wrdreg s2  }
0xb0: {  	[dreg:$0x3] =	wrdreg s24  }
0xb1: {  	[dreg:$0x4] =	wrdreg s18  }
0xb2: {  	[dreg:$0x5] =	wrdreg $0x0  }
0xb3: {  	[dreg:$0x6] =	wrdreg $0x9  }
0xb4: {  	_ =	task.clear_ibuf [dreg:s8], $0x7FFFF;
	_ =	strace $0x90000046  }
0xb5: {  	s29 =	simm.s32 $0x9;
	_ =	strace $0x80000048  }
0xb6: {  	_ =	swait.ge [sflag:s29], $0x1  }
0xb7: {  	[sflag:s29] =	ssyncadd.s32 $0xFFFFFFFF  }
0xb8: {  	_ =	strace $0x90000048  }
0xb9: {  	_ =	sfence  }
0xba: {  	s30 =	sld [smem:$0x0];
	_ =	sdelay $0x2  }
0xbb: {  	s31 =	sshll.u32 s1, $0xD;
	s1 =	sshrl.u32 s1, $0x2  }
0xbc: {  	s3 =	sand.u32 $0x4000, s31;
	s1 =	sadd.s32 s1, s30  }
0xbd: {  	s0 =	sor.u32 s3, s0;
	s1 =	sshll.u32 s1, $0x11  }
0xbe: {  	s0 =	sor.u32 s1, s0  }
0xbf: {  	s0 =	sadd.s32 $0x8F2B, s0  }
0xc0: {  	[sflag:s0] =	ssyncadd.remote.s32 $0x1  }
0xc1: {  	_ =	sfence.sel $0xFFFF  }
0xc2: {  	[dreg:$0x0] =	wrdreg $0xFFFFFFFF;
	(pc) =	sbr.abs _section_cstart, $3  }
0xc3: {  	[dreg:$0x1] =	wrdreg $0xFFFFFFFF  }
0xc4: {  	_ =	task.clear_ibuf [dreg:s8], $0x2FFFF;
	_ =	strace $0x9FFFFFFF  }
0xc5: {  	(tm) =	ssettm $0x7FFFFFFF  }
tec
execute0_lowered:
.L_overlay_start_1:
0x0: {  	(tag) =	ssettag $0x1  }
0x1: {  	s6 =	rddreg [dreg:$0x0]  }
0x2: {  	s1 =	rddreg [dreg:$0x1]  }
0x3: {  	s2 =	rddreg [dreg:$0x2]  }
0x4: {  	s7 =	rddreg [dreg:$0x3];
	s3 =	simm.s32 $0x0  }
0x5: {  	[smem:$0x7FF] =	sst s3  }
0x6: {  	s0 =	rddreg [dreg:$0x4];
	v0 =	vimm.f32 $1.023000000e+03;
	_ =	strace $0x80000047  }
0x7: {  	s5 =	srdreg.scid;
	(erf) = vrcp.f32 v0  }
0x8: {  	s4 =	stileid.u32;
	s8 =	sand.u32 $0x1, s5  }
0x9: {  	s9 =	sshll.u32 s4, $0x6;
	s5 =	sshll.u32 s8, $0x5  }
0xa: {  	s5 =	sor.u32 s5, s9  }
0xb: {  	v0 =	vmov s5  }
0xc: {  	v0 =	vcvt.s32.f32 v0;
	_ =	sdelay $0x2  }
0xd: {  	v1 =	vbroadcast v0, $0x0  }
0xe: {  	v0 =	vpop (erf)  }
0xf: {  	v1 =	vmul.f32 v1, v0;
	_ =	sdelay $0x1  }
0x10: {  	s12 =	simm.s32 $0x16400;
	s13 =	simm.s32 $0x0;
	v2 =	vshrl.u32 v1, $0x10  }
0x11: {  	s31 =	sshll.u32 s4, $0x10;
	s11 =	sshll.u32 s4, $0xD;
	s8 =	ssub.s32 $0x2, s8;
	v2 =	vand.u32 $0x1, v2  }
0x12: {  	s6 =	sadd.s32 s6, s11;
	s11 =	simm.s32 $0x10000;
	s10 =	sshrl.u32 s8, $0x1;
	v1 =	vadd.s32 v2, v1  }
0x13: {  	s8 =	ssub.s32 s8, s10;
	s10 =	sadd.s32 s31, s7;
	s7 =	sor.u32 $0x1C01, s9;
	v1 =	vadd.s32 $0x7FFF, v1  }
0x14: {  	v3 =	vimm.f32 $0.0e+00;
	s8 =	smax.u32 s8, $0x1;
	s9 =	sshrl.u32 s10, $0x3;
	s10 =	simm.s32 $0x1;
	v2 =	vlaneseq.u32;
	v1 =	vand.u32 $0xFFFF0000, v1  }
.LBB2_1:
0x15: {  	[spmem:s9], [sflag:s7] =	dma.local [hbm:s6], $0x2000  }
0x16: {  	_ =	swait.ge [sflag:s10], $0x2000  }
0x17: {  	[sflag:s10] =	ssyncset.done $0x0  }
0x18: {  	[sflag:s10] =	ssyncadd.s32 $0xFFFFE000  }
0x19: {  	[bflag:$0x0] =	sbarrier.arrive $0xFFFF  }
0x1a: {  	[tilespmem:s11], [sflag:$0x1] =	stream.linear.gather [hbm4b:s1+s3], $0x300, $0x38;
	[tilespmem:$0x16800] =	vst v63  }
0x1b: {  	_ =	swait.ge [sflag:s10], $0x300  }
0x1c: {  	[sflag:s10] =	ssyncset.done $0x0  }
0x1d: {  	[sflag:s10] =	ssyncadd.s32 $0xFFFFFD00  }
0x1e: {  	v4 =	vld [tilespmem:$0x10000]  }
0x1f: {  	v5 =	vld [tilespmem:$0x10180];
	_ =	sdelay $0x4  }
0x20: {  	v6 =	vshrl.u32 v4, $0x10;
	v8 =	vshrl.u32 v5, $0x10  }
0x21: {  	v7 =	vld [tilespmem:$0x10080];
	v6 =	vand.u32 $0x1, v6;
	v8 =	vand.u32 $0x1, v8  }
0x22: {  	v6 =	vadd.s32 v6, v4;
	v4 =	vld [tilespmem:$0x10100];
	v5 =	vadd.s32 v8, v5  }
0x23: {  	v6 =	vadd.s32 $0x7FFF, v6;
	v9 =	vadd.s32 $0x7FFF, v5;
	v5 =	vld [tilespmem:$0x10200]  }
0x24: {  	s14 =	simm.s32 $0x10400;
	s15 =	simm.s32 $0x0;
	s16 =	simm.s32 $0x0;
	v8 =	vand.u32 $0xFFFF0000, v6;
	v9 =	vand.u32 $0xFFFF0000, v9;
	v6 =	vld [tilespmem:$0x10280]  }
.LBB2_2:
0x25: {  	v10 =	vor.u32 s15, v2  }
0x26: {  	v10 =	vcvt.s32.f32 v10;
	_ =	sdelay $0x1  }
0x27: {  	v10 =	vmul.f32 v10, v0;
	_ =	sdelay $0x1  }
0x28: {  	v11 =	vshrl.u32 v10, $0x10  }
0x29: {  	s19 =	sadd.s32 $0x10, s15;
	v11 =	vand.u32 $0x1, v11  }
0x2a: {  	v12 =	vor.u32 s19, v2;
	v10 =	vadd.s32 v11, v10  }
0x2b: {  	v12 =	vcvt.s32.f32 v12;
	v13 =	vadd.s32 $0x7FFF, v10;
	v10 =	vmov s14;
	_ =	sdelay $0x1  }
0x2c: {  	v11 =	vmul.f32 v12, v0;
	v13 =	vand.u32 $0xFFFF0000, v13  }
0x2d: {  	s17 =	simm.s32 $0x40;
	v12 =	vmul.f32 v13, v8;
	v13 =	vmul.f32 v13, v9  }
0x2e: {  	s18 =	simm.s32 $0x80;
	s20 =	simm.s32 $0x0;
	s19 =	sadd.s32 $0x10, s19;
	v14 =	vshrl.u32 v11, $0x10  }
.LBB2_3:
0x2f: {  	v15 =	vor.u32 s19, v2;
	p0 =	sne.s32 s18, $0x1C0;
	v14 =	vand.u32 $0x1, v14;
	[tilespmem:v10+s20+$0x400 ss:$0x1] =	vst.idx.msk $0xffff, v13;
	s21 =	smov.u32 s18;
	s18 =	sadd.s32 $0x40, s18  }
.Ltmp0:
0x30: {  	v13 =	vcvt.s32.f32 v15;
	v11 =	vadd.s32 v14, v11;
	[tilespmem:v10+s20+$0x0 ss:$0x1] =	vst.idx.msk $0xffff, v12;
	(pc) =	sbr.rel @p0 .LBB2_3-.Ltmp0, $4  }
0x31: {  	v12 =	vadd.s32 $0x7FFF, v11  }
0x32: {  	v11 =	vmul.f32 v13, v0;
	v13 =	vand.u32 $0xFFFF0000, v12  }
0x33: {  	v12 =	vmul.f32 v13, v8;
	v13 =	vmul.f32 v13, v9  }
0x34: {  	s19 =	sadd.s32 $0x10, s19;
	s20 =	sshra.s32 s17, $0x2;
	s17 =	smov.u32 s21;
	v14 =	vshrl.u32 v11, $0x10  }
0x35: {  	v14 =	vand.u32 $0x1, v14  }
0x36: {  	s16 =	sadd.s32 $0x1, s16;
	v11 =	vadd.s32 v14, v11  }
0x37: {  	p0 =	sne.s32 s16, $0x8;
	v11 =	vadd.s32 $0x7FFF, v11  }
.Ltmp1:
0x38: {  	v11 =	vand.u32 $0xFFFF0000, v11;
	(pc) =	sbr.rel @p0 .LBB2_2-.Ltmp1, $4  }
0x39: {  	[tilespmem:v10+s20+$0x400 ss:$0x1] =	vst.idx.msk $0xffff, v13;
	v63 =	vmul.f32 v11, v9  }
0x3a: {  	[tilespmem:v10+s20+$0x0 ss:$0x1] =	vst.idx.msk $0xffff, v12;
	s17 =	sshra.s32 s17, $0x2;
	v11 =	vmul.f32 v11, v8  }
0x3b: {  	[tilespmem:v10+s17+$0x400 ss:$0x1] =	vst.idx.msk $0xffff, v63  }
0x3c: {  	s14 =	sadd.s32 $0x80, s14;
	s15 =	sadd.s32 $0x80, s15;
	[tilespmem:v10+s17+$0x0 ss:$0x1] =	vst.idx.msk $0xffff, v11  }
0x3d: {  	v8 =	vshrl.u32 v7, $0x10  }
0x3e: {  	v9 =	vshrl.u32 v5, $0x10;
	v10 =	vshrl.u32 v6, $0x10;
	v8 =	vand.u32 $0x1, v8  }
0x3f: {  	v9 =	vand.u32 $0x1, v9;
	v7 =	vadd.s32 v8, v7;
	v8 =	vshrl.u32 v4, $0x10  }
0x40: {  	v5 =	vadd.s32 v9, v5;
	v7 =	vadd.s32 $0x7FFF, v7;
	v8 =	vand.u32 $0x1, v8  }
0x41: {  	v8 =	vadd.s32 v8, v4;
	v4 =	vand.u32 $0xFFFF0000, v7;
	v7 =	vand.u32 $0x1, v10  }
0x42: {  	v9 =	vadd.s32 $0x7FFF, v5;
	v8 =	vadd.s32 $0x7FFF, v8;
	v7 =	vadd.s32 v7, v6  }
0x43: {  	s15 =	simm.s32 $0x0;
	s16 =	simm.s32 $0x10800;
	s17 =	simm.s32 $0x10C00;
	v6 =	vand.u32 $0xFFFF0000, v9;
	v5 =	vand.u32 $0xFFFF0000, v8;
	v7 =	vadd.s32 $0x7FFF, v7  }
0x44: {  	s18 =	simm.s32 $0x14C00;
	s19 =	simm.s32 $0x15400;
	s20 =	simm.s32 $0x15C00;
	v8 =	vmul.f32 v4, v1;
	v9 =	vmul.f32 v6, v1;
	v7 =	vand.u32 $0xFFFF0000, v7  }
.LBB2_6:
0x45: {  	v14 =	vmov s16;
	_ =	sdelay $0x3  }
0x46: {  	s14 =	simm.s32 $0x0  }
0x47: {  	v10 =	vld.idx.msk [tilespmem:v14+s14+$0x0 ss:$0x1], $0xffff  }
0x48: {  	v11 =	vld.idx.msk [tilespmem:v14+s14+$0xFFFFFC00 ss:$0x1], $0xffff;
	_ =	sdelay $0x3  }
0x49: {  	v10 =	vadd.f32 v10, v9  }
0x4a: {  	v11 =	vadd.f32 v11, v8  }
0x4b: {  	v10 =	vadd.f32 v7, v10  }
0x4c: {  	v11 =	vadd.f32 v5, v11  }
0x4d: {  	v13 =	vmul.f32 $1.023000000e+03, v10  }
0x4e: {  	v15 =	vmul.f32 $1.023000000e+03, v11  }
0x4f: {  	v10 =	vtrunc.f32 v13  }
0x50: {  	v11 =	vtrunc.f32 v15;
	v12 =	vcvt.f32.s32 v10  }
0x51: {  	v11 =	vcvt.f32.s32 v11  }
0x52: {  	vm13 =	vge.f32 v13, $0.0e+00;
	v10 =	vmov s17;
	vm0 =	vgt.s32 v12, $0x0  }
0x53: {  	vm14 =	vge.f32 v15, $0.0e+00;
	vm1 =	vgt.s32 v11, $0x0;
	v12 =	vnsel vm0, $0x0, v12  }
0x54: {  	vm2 =	vlt.f32 v15, $1.023000000e+03;
	v11 =	vnsel vm1, $0x0, v11;
	v16 =	vmin.u32 v12, $0x3FE  }
0x55: {  	vm15 =	vlt.f32 v13, $1.023000000e+03;
	v17 =	vmin.u32 v11, $0x3FE;
	v18 =	vshll.u32 v16, $0xA  }
0x56: {  	v12 =	vmov s18;
	v16 =	vcvt.s32.f32 v16;
	v18 =	vor.u32 v17, v18  }
0x57: {  	v11 =	vmov s19;
	v17 =	vcvt.s32.f32 v17;
	[tilespmem:v10+s14+$0x0 ss:$0x1] =	vst.idx.msk $0xffff, v18;
	v19 =	vadd.s32 $0x1, v18  }
0x58: {  	vm0 =	vmand vm14, vm13;
	v63 =	vadd.s32 $0x400, v18;
	v16 =	vsub.f32 v13, v16;
	[tilespmem:v10+s14+$0x400 ss:$0x1] =	vst.idx.msk $0xffff, v19  }
0x59: {  	v13 =	vmov s20;
	v15 =	vsub.f32 v15, v17;
	v17 =	vadd.s32 $0x401, v18;
	[tilespmem:v10+s14+$0x800 ss:$0x1] =	vst.idx.msk $0xffff, v63  }
0x5a: {  	vm0 =	vmand vm0, vm2;
	[tilespmem:v10+s14+$0xC00 ss:$0x1] =	vst.idx.msk $0xffff, v17  }
0x5b: {  	vm0 =	vmand vm15, vm0;
	[tilespmem:v12+s14+$0x0 ss:$0x1] =	vst.idx.msk $0xffff, v15  }
0x5c: {  	s21 =	simm.s32 $0x40;
	s22 =	simm.s32 $0x80;
	v15 =	vsel vm0, $0x3F800000, v3;
	[tilespmem:v11+s14+$0x0 ss:$0x1] =	vst.idx.msk $0xffff, v16  }
.LBB2_7:
0x5d: {  	p0 =	sne.s32 s22, $0x1C0  }
0x5e: {  	[tilespmem:v13+s14+$0x0 ss:$0x1] =	vst.idx.msk $0xffff, v15;
	s14 =	sshra.s32 s21, $0x2;
	s21 =	smov.u32 s22;
	s22 =	sadd.s32 $0x40, s22  }
0x5f: {  	v15 =	vld.idx.msk [tilespmem:v14+s14+$0x0 ss:$0x1], $0xffff  }
0x60: {  	v16 =	vld.idx.msk [tilespmem:v14+s14+$0xFFFFFC00 ss:$0x1], $0xffff;
	_ =	sdelay $0x4  }
0x61: {  	v15 =	vadd.f32 v15, v9  }
0x62: {  	v16 =	vadd.f32 v16, v8  }
0x63: {  	v15 =	vadd.f32 v7, v15  }
0x64: {  	v16 =	vadd.f32 v5, v16  }
0x65: {  	v15 =	vmul.f32 $1.023000000e+03, v15  }
0x66: {  	v16 =	vmul.f32 $1.023000000e+03, v16  }
0x67: {  	v17 =	vtrunc.f32 v15;
	vm0 =	vge.f32 v15, $0.0e+00  }
0x68: {  	v18 =	vtrunc.f32 v16;
	v17 =	vcvt.f32.s32 v17;
	vm1 =	vge.f32 v16, $0.0e+00  }
0x69: {  	vm2 =	vlt.f32 v16, $1.023000000e+03;
	v18 =	vcvt.f32.s32 v18;
	vm0 =	vmand vm1, vm0  }
0x6a: {  	vm1 =	vgt.s32 v17, $0x0;
	vm0 =	vmand vm0, vm2;
	vm2 =	vlt.f32 v15, $1.023000000e+03  }
0x6b: {  	vm3 =	vgt.s32 v18, $0x0;
	v17 =	vnsel vm1, $0x0, v17;
	vm0 =	vmand vm2, vm0  }
0x6c: {  	v18 =	vnsel vm3, $0x0, v18;
	v17 =	vmin.u32 v17, $0x3FE  }
0x6d: {  	v18 =	vmin.u32 v18, $0x3FE;
	v19 =	vcvt.s32.f32 v17;
	v17 =	vshll.u32 v17, $0xA  }
0x6e: {  	v20 =	vcvt.s32.f32 v18;
	v17 =	vor.u32 v18, v17  }
0x6f: {  	v18 =	vsub.f32 v15, v19;
	v15 =	vadd.s32 $0x1, v17;
	[tilespmem:v10+s14+$0x0 ss:$0x1] =	vst.idx.msk $0xffff, v17  }
.Ltmp2:
0x70: {  	v16 =	vsub.f32 v16, v20;
	[tilespmem:v10+s14+$0x400 ss:$0x1] =	vst.idx.msk $0xffff, v15;
	v15 =	vadd.s32 $0x400, v17;
	(pc) =	sbr.rel @p0 .LBB2_7-.Ltmp2, $4  }
0x71: {  	[tilespmem:v10+s14+$0x800 ss:$0x1] =	vst.idx.msk $0xffff, v15;
	v15 =	vadd.s32 $0x401, v17  }
0x72: {  	[tilespmem:v10+s14+$0xC00 ss:$0x1] =	vst.idx.msk $0xffff, v15  }
0x73: {  	[tilespmem:v12+s14+$0x0 ss:$0x1] =	vst.idx.msk $0xffff, v16  }
0x74: {  	v15 =	vsel vm0, $0x3F800000, v3;
	[tilespmem:v11+s14+$0x0 ss:$0x1] =	vst.idx.msk $0xffff, v18  }
0x75: {  	_ =	sdelay $0x3  }
0x76: {  	s21 =	sshra.s32 s21, $0x2;
	[tilespmem:v13+s14+$0x0 ss:$0x1] =	vst.idx.msk $0xffff, v15  }
0x77: {  	v15 =	vld.idx.msk [tilespmem:v14+s21+$0x0 ss:$0x1], $0xffff  }
0x78: {  	v61 =	vld.idx.msk [tilespmem:v14+s21+$0xFFFFFC00 ss:$0x1], $0xffff;
	_ =	sdelay $0x3  }
0x79: {  	v15 =	vadd.f32 v15, v9  }
0x7a: {  	v14 =	vadd.f32 v61, v8  }
0x7b: {  	v15 =	vadd.f32 v7, v15  }
0x7c: {  	v14 =	vadd.f32 v5, v14  }
0x7d: {  	v15 =	vmul.f32 $1.023000000e+03, v15  }
0x7e: {  	v14 =	vmul.f32 $1.023000000e+03, v14  }
0x7f: {  	v16 =	vtrunc.f32 v15  }
0x80: {  	v17 =	vtrunc.f32 v14;
	v16 =	vcvt.f32.s32 v16  }
0x81: {  	v17 =	vcvt.f32.s32 v17  }
0x82: {  	vm0 =	vgt.s32 v16, $0x0  }
0x83: {  	vm1 =	vgt.s32 v17, $0x0;
	v16 =	vnsel vm0, $0x0, v16  }
0x84: {  	v17 =	vnsel vm1, $0x0, v17;
	v16 =	vmin.u32 v16, $0x3FE  }
0x85: {  	v17 =	vmin.u32 v17, $0x3FE;
	v18 =	vshll.u32 v16, $0xA  }
0x86: {  	vm12 =	vge.f32 v15, $0.0e+00;
	v18 =	vor.u32 v17, v18  }
0x87: {  	s15 =	sadd.s32 $0x1, s15;
	vm13 =	vge.f32 v14, $0.0e+00;
	v17 =	vcvt.s32.f32 v17;
	[tilespmem:v10+s21+$0x0 ss:$0x1] =	vst.idx.msk $0xffff, v18;
	v19 =	vadd.s32 $0x1, v18  }
0x88: {  	p0 =	sne.s32 s15, $0x8;
	vm14 =	vlt.f32 v14, $1.023000000e+03;
	v16 =	vcvt.s32.f32 v16;
	v62 =	vadd.s32 $0x400, v18;
	[tilespmem:v10+s21+$0x400 ss:$0x1] =	vst.idx.msk $0xffff, v19  }
.Ltmp3:
0x89: {  	vm0 =	vmand vm13, vm12;
	v63 =	vadd.s32 $0x401, v18;
	v14 =	vsub.f32 v14, v17;
	[tilespmem:v10+s21+$0x800 ss:$0x1] =	vst.idx.msk $0xffff, v62;
	(pc) =	sbr.rel @p0 .LBB2_6-.Ltmp3, $4  }
0x8a: {  	vm15 =	vlt.f32 v15, $1.023000000e+03;
	vm0 =	vmand vm0, vm14;
	v15 =	vsub.f32 v15, v16;
	[tilespmem:v10+s21+$0xC00 ss:$0x1] =	vst.idx.msk $0xffff, v63  }
0x8b: {  	vm0 =	vmand vm15, vm0;
	[tilespmem:v12+s21+$0x0 ss:$0x1] =	vst.idx.msk $0xffff, v14  }
0x8c: {  	s16 =	sadd.s32 $0x80, s16;
	s17 =	sadd.s32 $0x80, s17;
	s18 =	sadd.s32 $0x80, s18;
	v10 =	vsel vm0, $0x3F800000, v3;
	[tilespmem:v11+s21+$0x0 ss:$0x1] =	vst.idx.msk $0xffff, v15  }
0x8d: {  	s19 =	sadd.s32 $0x80, s19;
	s20 =	sadd.s32 $0x80, s20;
	s14 =	simm.s32 $0x0;
	[tilespmem:v13+s21+$0x0 ss:$0x1] =	vst.idx.msk $0xffff, v10  }
.LBB2_9:
0x8e: {  	s15 =	sshll.u32 s14, $0x1  }
0x8f: {  	s16 =	sadd.s32 s5, s15  }
0x90: {  	s15 =	sor.u32 $0x1, s16  }
0x91: {  	v8 =	vmov s15  }
0x92: {  	v8 =	vcvt.s32.f32 v8;
	_ =	sdelay $0x1  }
0x93: {  	v8 =	vbroadcast v8, $0x0;
	_ =	sdelay $0x1  }
0x94: {  	v8 =	vmul.f32 v8, v0;
	_ =	sdelay $0x1  }
0x95: {  	v9 =	vshrl.u32 v8, $0x10  }
0x96: {  	v9 =	vand.u32 $0x1, v9  }
0x97: {  	v8 =	vadd.s32 v9, v8  }
0x98: {  	v8 =	vadd.s32 $0x7FFF, v8  }
0x99: {  	s17 =	simm.s32 $0x16000;
	s18 =	simm.s32 $0x15800;
	s19 =	simm.s32 $0x15000;
	v9 =	vand.u32 $0xFFFF0000, v8  }
0x9a: {  	s20 =	simm.s32 $0x11C00;
	s21 =	simm.s32 $0x10400;
	s22 =	simm.s32 $0x0;
	v8 =	vmul.f32 v9, v4;
	v9 =	vmul.f32 v9, v6  }
.LBB2_10:
0x9b: {  	v13 =	vmov s21;
	_ =	sdelay $0x3  }
0x9c: {  	s23 =	simm.s32 $0x0  }
0x9d: {  	v10 =	vld.idx.msk [tilespmem:v13+s23+$0x400 ss:$0x1], $0xffff  }
0x9e: {  	v11 =	vld.idx.msk [tilespmem:v13+s23+$0x0 ss:$0x1], $0xffff;
	_ =	sdelay $0x3  }
0x9f: {  	v10 =	vadd.f32 v10, v9  }
0xa0: {  	v11 =	vadd.f32 v11, v8  }
0xa1: {  	v10 =	vadd.f32 v7, v10  }
0xa2: {  	v11 =	vadd.f32 v5, v11  }
0xa3: {  	v14 =	vmul.f32 $1.023000000e+03, v10  }
0xa4: {  	v15 =	vmul.f32 $1.023000000e+03, v11  }
0xa5: {  	v10 =	vtrunc.f32 v14  }
0xa6: {  	v11 =	vtrunc.f32 v15;
	v12 =	vcvt.f32.s32 v10  }
0xa7: {  	v11 =	vcvt.f32.s32 v11  }
0xa8: {  	vm13 =	vge.f32 v14, $0.0e+00;
	v10 =	vmov s20;
	vm0 =	vgt.s32 v12, $0x0  }
0xa9: {  	vm14 =	vge.f32 v15, $0.0e+00;
	vm1 =	vgt.s32 v11, $0x0;
	v12 =	vnsel vm0, $0x0, v12  }
0xaa: {  	vm2 =	vlt.f32 v15, $1.023000000e+03;
	v16 =	vnsel vm1, $0x0, v11;
	v17 =	vmin.u32 v12, $0x3FE  }
0xab: {  	vm15 =	vlt.f32 v14, $1.023000000e+03;
	v16 =	vmin.u32 v16, $0x3FE;
	v18 =	vshll.u32 v17, $0xA  }
0xac: {  	v11 =	vmov s19;
	v17 =	vcvt.s32.f32 v17;
	v18 =	vor.u32 v16, v18  }
0xad: {  	v12 =	vmov s18;
	v16 =	vcvt.s32.f32 v16;
	[tilespmem:v10+s23+$0x0 ss:$0x1] =	vst.idx.msk $0xffff, v18;
	v19 =	vadd.s32 $0x1, v18  }
0xae: {  	vm0 =	vmand vm14, vm13;
	v63 =	vadd.s32 $0x400, v18;
	v17 =	vsub.f32 v14, v17;
	[tilespmem:v10+s23+$0x400 ss:$0x1] =	vst.idx.msk $0xffff, v19  }
0xaf: {  	v14 =	vmov s17;
	v15 =	vsub.f32 v15, v16;
	v16 =	vadd.s32 $0x401, v18;
	[tilespmem:v10+s23+$0x800 ss:$0x1] =	vst.idx.msk $0xffff, v63  }
0xb0: {  	vm0 =	vmand vm0, vm2;
	[tilespmem:v10+s23+$0xC00 ss:$0x1] =	vst.idx.msk $0xffff, v16  }
0xb1: {  	vm0 =	vmand vm15, vm0;
	[tilespmem:v11+s23+$0x0 ss:$0x1] =	vst.idx.msk $0xffff, v15  }
0xb2: {  	s24 =	simm.s32 $0x40;
	s25 =	simm.s32 $0x80;
	v15 =	vsel vm0, $0x3F800000, v3;
	[tilespmem:v12+s23+$0x0 ss:$0x1] =	vst.idx.msk $0xffff, v17  }
.LBB2_11:
0xb3: {  	p0 =	sne.s32 s25, $0x1C0  }
0xb4: {  	[tilespmem:v14+s23+$0x0 ss:$0x1] =	vst.idx.msk $0xffff, v15;
	s23 =	sshra.s32 s24, $0x2;
	s24 =	smov.u32 s25;
	s25 =	sadd.s32 $0x40, s25  }
0xb5: {  	v15 =	vld.idx.msk [tilespmem:v13+s23+$0x400 ss:$0x1], $0xffff  }
0xb6: {  	v16 =	vld.idx.msk [tilespmem:v13+s23+$0x0 ss:$0x1], $0xffff;
	_ =	sdelay $0x4  }
0xb7: {  	v15 =	vadd.f32 v15, v9  }
0xb8: {  	v16 =	vadd.f32 v16, v8  }
0xb9: {  	v15 =	vadd.f32 v7, v15  }
0xba: {  	v16 =	vadd.f32 v5, v16  }
0xbb: {  	v15 =	vmul.f32 $1.023000000e+03, v15  }
0xbc: {  	v16 =	vmul.f32 $1.023000000e+03, v16  }
0xbd: {  	v17 =	vtrunc.f32 v15;
	vm0 =	vge.f32 v15, $0.0e+00  }
0xbe: {  	v18 =	vtrunc.f32 v16;
	v17 =	vcvt.f32.s32 v17;
	vm1 =	vge.f32 v16, $0.0e+00  }
0xbf: {  	vm2 =	vlt.f32 v16, $1.023000000e+03;
	v18 =	vcvt.f32.s32 v18;
	vm0 =	vmand vm1, vm0  }
0xc0: {  	vm1 =	vgt.s32 v17, $0x0;
	vm0 =	vmand vm0, vm2;
	vm2 =	vlt.f32 v15, $1.023000000e+03  }
0xc1: {  	vm3 =	vgt.s32 v18, $0x0;
	v17 =	vnsel vm1, $0x0, v17;
	vm0 =	vmand vm2, vm0  }
0xc2: {  	v18 =	vnsel vm3, $0x0, v18;
	v17 =	vmin.u32 v17, $0x3FE  }
0xc3: {  	v18 =	vmin.u32 v18, $0x3FE;
	v19 =	vcvt.s32.f32 v17;
	v17 =	vshll.u32 v17, $0xA  }
0xc4: {  	v20 =	vcvt.s32.f32 v18;
	v17 =	vor.u32 v18, v17  }
0xc5: {  	v18 =	vsub.f32 v15, v19;
	v15 =	vadd.s32 $0x1, v17;
	[tilespmem:v10+s23+$0x0 ss:$0x1] =	vst.idx.msk $0xffff, v17  }
.Ltmp4:
0xc6: {  	v16 =	vsub.f32 v16, v20;
	[tilespmem:v10+s23+$0x400 ss:$0x1] =	vst.idx.msk $0xffff, v15;
	v15 =	vadd.s32 $0x400, v17;
	(pc) =	sbr.rel @p0 .LBB2_11-.Ltmp4, $4  }
0xc7: {  	[tilespmem:v10+s23+$0x800 ss:$0x1] =	vst.idx.msk $0xffff, v15;
	v15 =	vadd.s32 $0x401, v17  }
0xc8: {  	[tilespmem:v10+s23+$0xC00 ss:$0x1] =	vst.idx.msk $0xffff, v15  }
0xc9: {  	[tilespmem:v11+s23+$0x0 ss:$0x1] =	vst.idx.msk $0xffff, v16  }
0xca: {  	v15 =	vsel vm0, $0x3F800000, v3;
	[tilespmem:v12+s23+$0x0 ss:$0x1] =	vst.idx.msk $0xffff, v18  }
0xcb: {  	_ =	sdelay $0x3  }
0xcc: {  	s24 =	sshra.s32 s24, $0x2;
	[tilespmem:v14+s23+$0x0 ss:$0x1] =	vst.idx.msk $0xffff, v15  }
0xcd: {  	v15 =	vld.idx.msk [tilespmem:v13+s24+$0x400 ss:$0x1], $0xffff  }
0xce: {  	v61 =	vld.idx.msk [tilespmem:v13+s24+$0x0 ss:$0x1], $0xffff;
	_ =	sdelay $0x3  }
0xcf: {  	v15 =	vadd.f32 v15, v9  }
0xd0: {  	v13 =	vadd.f32 v61, v8  }
0xd1: {  	v15 =	vadd.f32 v7, v15  }
0xd2: {  	v13 =	vadd.f32 v5, v13  }
0xd3: {  	v15 =	vmul.f32 $1.023000000e+03, v15  }
0xd4: {  	v13 =	vmul.f32 $1.023000000e+03, v13  }
0xd5: {  	v16 =	vtrunc.f32 v15  }
0xd6: {  	v17 =	vtrunc.f32 v13;
	v16 =	vcvt.f32.s32 v16  }
0xd7: {  	v17 =	vcvt.f32.s32 v17  }
0xd8: {  	vm0 =	vgt.s32 v16, $0x0  }
0xd9: {  	vm1 =	vgt.s32 v17, $0x0;
	v16 =	vnsel vm0, $0x0, v16  }
0xda: {  	v17 =	vnsel vm1, $0x0, v17;
	v16 =	vmin.u32 v16, $0x3FE  }
0xdb: {  	v17 =	vmin.u32 v17, $0x3FE;
	v18 =	vshll.u32 v16, $0xA  }
0xdc: {  	vm12 =	vge.f32 v15, $0.0e+00;
	v18 =	vor.u32 v17, v18  }
0xdd: {  	s22 =	sadd.s32 $0x1, s22;
	vm13 =	vge.f32 v13, $0.0e+00;
	v17 =	vcvt.s32.f32 v17;
	[tilespmem:v10+s24+$0x0 ss:$0x1] =	vst.idx.msk $0xffff, v18;
	v19 =	vadd.s32 $0x1, v18  }
0xde: {  	p0 =	sne.s32 s22, $0x8;
	vm14 =	vlt.f32 v13, $1.023000000e+03;
	v16 =	vcvt.s32.f32 v16;
	v62 =	vadd.s32 $0x400, v18;
	[tilespmem:v10+s24+$0x400 ss:$0x1] =	vst.idx.msk $0xffff, v19  }
.Ltmp5:
0xdf: {  	vm0 =	vmand vm13, vm12;
	v63 =	vadd.s32 $0x401, v18;
	v13 =	vsub.f32 v13, v17;
	[tilespmem:v10+s24+$0x800 ss:$0x1] =	vst.idx.msk $0xffff, v62;
	(pc) =	sbr.rel @p0 .LBB2_10-.Ltmp5, $4  }
0xe0: {  	vm15 =	vlt.f32 v15, $1.023000000e+03;
	vm0 =	vmand vm0, vm14;
	v15 =	vsub.f32 v15, v16;
	[tilespmem:v10+s24+$0xC00 ss:$0x1] =	vst.idx.msk $0xffff, v63  }
0xe1: {  	vm0 =	vmand vm15, vm0;
	[tilespmem:v11+s24+$0x0 ss:$0x1] =	vst.idx.msk $0xffff, v13  }
0xe2: {  	s17 =	sadd.s32 $0x80, s17;
	s18 =	sadd.s32 $0x80, s18;
	v10 =	vsel vm0, $0x3F800000, v3;
	[tilespmem:v12+s24+$0x0 ss:$0x1] =	vst.idx.msk $0xffff, v15  }
0xe3: {  	s19 =	sadd.s32 $0x80, s19;
	s20 =	sadd.s32 $0x80, s20;
	s21 =	sadd.s32 $0x80, s21;
	[tilespmem:v14+s24+$0x0 ss:$0x1] =	vst.idx.msk $0xffff, v10  }
0xe4: {  	s17 =	simm.s32 $0x0;
	s18 =	simm.s32 $0x16400;
	s19 =	simm.s32 $0x15C00  }
0xe5: {  	s20 =	simm.s32 $0x15400;
	s21 =	simm.s32 $0x14C00;
	s22 =	simm.s32 $0x13400  }
.LBB2_14:
0xe6: {  	v10 =	vmov s22;
	_ =	sdelay $0x1  }
0xe7: {  	v12 =	vmov s21;
	_ =	sdelay $0x1  }
0xe8: {  	s23 =	simm.s32 $0x0  }
0xe9: {  	v11 =	vmov s20;
	v13 =	vld.idx.msk [tilespmem:v10+s23+$0xFFFFF800 ss:$0x1], $0xffff  }
0xea: {  	v9 =	vmov s19;
	v8 =	vmov s18;
	s24 =	simm.s32 $0x40;
	v14 =	vld.idx.msk [tilespmem:v10+s23+$0xFFFFFC00 ss:$0x1], $0xffff  }
.LBB2_15:
0xeb: {  	p0 =	sne.s32 s24, $0x1C0;
	v15 =	vld.idx.msk [tilespmem:v12+s23+$0x0 ss:$0x1], $0xffff  }
0xec: {  	v16 =	vld.idx.msk [tilespmem:v10+s23+$0x400 ss:$0x1], $0xffff  }
0xed: {  	v17 =	vld.idx.msk [tilespmem:v10+s23+$0x0 ss:$0x1], $0xffff  }
0xee: {  	v18 =	vld.idx.msk [tilespmem:v11+s23+$0x0 ss:$0x1], $0xffff;
	_ =	sdelay $0x2  }
0xef: {  	v19 =	vsub.f32 $1.000000000e+00, v15  }
0xf0: {  	v14 =	vmul.f32 v15, v14;
	v15 =	vmul.f32 v15, v16  }
0xf1: {  	v13 =	vmul.f32 v19, v13;
	v16 =	vmul.f32 v19, v17  }
0xf2: {  	v17 =	vsub.f32 $1.000000000e+00, v18  }
0xf3: {  	v13 =	vadd.f32 v13, v14;
	v14 =	vadd.f32 v16, v15;
	v19 =	vld.idx.msk [tilespmem:v9+s23+$0x0 ss:$0x1], $0xffff;
	_ =	sdelay $0x1  }
0xf4: {  	v13 =	vmul.f32 v13, v17;
	v14 =	vmul.f32 v14, v18;
	_ =	sdelay $0x1  }
0xf5: {  	v13 =	vadd.f32 v14, v13;
	_ =	sdelay $0x1  }
.Ltmp6:
0xf6: {  	v13 =	vmul.f32 v13, v19;
	(pc) =	sbr.rel @p0 .LBB2_15-.Ltmp6, $4  }
0xf7: {  	_ = 	snop  }
0xf8: {  	[tilespmem:v8+s23+$0x0 ss:$0x1] =	vst.idx.msk $0xffff, v13;
	s23 =	sshra.s32 s24, $0x2  }
0xf9: {  	v13 =	vld.idx.msk [tilespmem:v10+s23+$0xFFFFF800 ss:$0x1], $0xffff  }
0xfa: {  	s24 =	sadd.s32 $0x40, s24;
	v14 =	vld.idx.msk [tilespmem:v10+s23+$0xFFFFFC00 ss:$0x1], $0xffff  }
0xfb: {  	_ =	sdelay $0x3  }
0xfc: {  	v12 =	vld.idx.msk [tilespmem:v12+s23+$0x0 ss:$0x1], $0xffff  }
0xfd: {  	v15 =	vld.idx.msk [tilespmem:v10+s23+$0x400 ss:$0x1], $0xffff  }
0xfe: {  	v61 =	vld.idx.msk [tilespmem:v10+s23+$0x0 ss:$0x1], $0xffff  }
0xff: {  	v11 =	vld.idx.msk [tilespmem:v11+s23+$0x0 ss:$0x1], $0xffff;
	_ =	sdelay $0x1  }
0x100: {  	v16 =	vsub.f32 $1.000000000e+00, v12  }
0x101: {  	v14 =	vmul.f32 v12, v14;
	v12 =	vmul.f32 v12, v15  }
0x102: {  	v13 =	vmul.f32 v16, v13;
	v10 =	vmul.f32 v16, v61  }
0x103: {  	v62 =	vsub.f32 $1.000000000e+00, v11  }
0x104: {  	v13 =	vadd.f32 v13, v14;
	v10 =	vadd.f32 v10, v12  }
0x105: {  	v9 =	vld.idx.msk [tilespmem:v9+s23+$0x0 ss:$0x1], $0xffff  }
0x106: {  	s17 =	sadd.s32 $0x1, s17;
	v63 =	vmul.f32 v13, v62;
	v10 =	vmul.f32 v10, v11  }
0x107: {  	p0 =	sne.s32 s17, $0x8  }
.Ltmp7:
0x108: {  	v10 =	vadd.f32 v10, v63;
	(pc) =	sbr.rel @p0 .LBB2_14-.Ltmp7, $4  }
0x109: {  	_ = 	snop  }
0x10a: {  	v9 =	vmul.f32 v10, v9  }
0x10b: {  	s18 =	sadd.s32 $0x80, s18;
	s19 =	sadd.s32 $0x80, s19  }
0x10c: {  	s20 =	sadd.s32 $0x80, s20;
	s21 =	sadd.s32 $0x80, s21;
	s22 =	sadd.s32 $0x80, s22;
	[tilespmem:v8+s23+$0x0 ss:$0x1] =	vst.idx.msk $0xffff, v9  }
0x10d: {  	s17 =	sadd.s32 $0x2, s16  }
0x10e: {  	v8 =	vmov s17  }
0x10f: {  	v8 =	vcvt.s32.f32 v8;
	_ =	sdelay $0x1  }
0x110: {  	v8 =	vbroadcast v8, $0x0;
	_ =	sdelay $0x1  }
0x111: {  	v8 =	vmul.f32 v8, v0;
	_ =	sdelay $0x1  }
0x112: {  	s30 =	sshll.u32 s16, $0x7;
	v9 =	vshrl.u32 v8, $0x10  }
0x113: {  	s16 =	simm.s32 $0x0;
	s31 =	sadd.s32 s2, s30;
	v9 =	vand.u32 $0x1, v9  }
0x114: {  	[hbm4b:s31+s16] =	stream.linear.scatter [tilespmem:s12], [sflag:$0x1], $0x400, $0x38;
	v8 =	vadd.s32 v9, v8;
	[tilespmem:$0x16800] =	vst v63  }
0x115: {  	s18 =	simm.s32 $0x10C00;
	_ =	swait.ge [sflag:s10], $0x400;
	v8 =	vadd.s32 $0x7FFF, v8  }
0x116: {  	s19 =	simm.s32 $0x14C00;
	s20 =	simm.s32 $0x15400;
	[sflag:s10] =	ssyncset.done $0x0;
	v9 =	vand.u32 $0xFFFF0000, v8  }
0x117: {  	s21 =	simm.s32 $0x15C00;
	s17 =	simm.s32 $0x10800;
	[sflag:s10] =	ssyncadd.s32 $0xFFFFFC00;
	v8 =	vmul.f32 v9, v4;
	v9 =	vmul.f32 v9, v6  }
.LBB2_18:
0x118: {  	v13 =	vmov s17;
	_ =	sdelay $0x3  }
0x119: {  	s22 =	simm.s32 $0x0  }
0x11a: {  	v10 =	vld.idx.msk [tilespmem:v13+s22+$0x0 ss:$0x1], $0xffff  }
0x11b: {  	v11 =	vld.idx.msk [tilespmem:v13+s22+$0xFFFFFC00 ss:$0x1], $0xffff;
	_ =	sdelay $0x3  }
0x11c: {  	v10 =	vadd.f32 v10, v9  }
0x11d: {  	v11 =	vadd.f32 v11, v8  }
0x11e: {  	v10 =	vadd.f32 v7, v10  }
0x11f: {  	v11 =	vadd.f32 v5, v11  }
0x120: {  	v14 =	vmul.f32 $1.023000000e+03, v10  }
0x121: {  	v15 =	vmul.f32 $1.023000000e+03, v11  }
0x122: {  	v10 =	vtrunc.f32 v14  }
0x123: {  	v11 =	vtrunc.f32 v15;
	v12 =	vcvt.f32.s32 v10  }
0x124: {  	v11 =	vcvt.f32.s32 v11  }
0x125: {  	vm13 =	vge.f32 v14, $0.0e+00;
	v10 =	vmov s18;
	vm0 =	vgt.s32 v12, $0x0  }
0x126: {  	vm14 =	vge.f32 v15, $0.0e+00;
	vm1 =	vgt.s32 v11, $0x0;
	v12 =	vnsel vm0, $0x0, v12  }
0x127: {  	vm2 =	vlt.f32 v15, $1.023000000e+03;
	v16 =	vnsel vm1, $0x0, v11;
	v17 =	vmin.u32 v12, $0x3FE  }
0x128: {  	vm15 =	vlt.f32 v14, $1.023000000e+03;
	v16 =	vmin.u32 v16, $0x3FE;
	v18 =	vshll.u32 v17, $0xA  }
0x129: {  	v11 =	vmov s19;
	v17 =	vcvt.s32.f32 v17;
	v18 =	vor.u32 v16, v18  }
0x12a: {  	v12 =	vmov s20;
	v16 =	vcvt.s32.f32 v16;
	[tilespmem:v10+s22+$0x0 ss:$0x1] =	vst.idx.msk $0xffff, v18;
	v19 =	vadd.s32 $0x1, v18  }
0x12b: {  	vm0 =	vmand vm14, vm13;
	v63 =	vadd.s32 $0x400, v18;
	v17 =	vsub.f32 v14, v17;
	[tilespmem:v10+s22+$0x400 ss:$0x1] =	vst.idx.msk $0xffff, v19  }
0x12c: {  	v14 =	vmov s21;
	v15 =	vsub.f32 v15, v16;
	v16 =	vadd.s32 $0x401, v18;
	[tilespmem:v10+s22+$0x800 ss:$0x1] =	vst.idx.msk $0xffff, v63  }
0x12d: {  	vm0 =	vmand vm0, vm2;
	[tilespmem:v10+s22+$0xC00 ss:$0x1] =	vst.idx.msk $0xffff, v16  }
0x12e: {  	vm0 =	vmand vm15, vm0;
	[tilespmem:v11+s22+$0x0 ss:$0x1] =	vst.idx.msk $0xffff, v15  }
0x12f: {  	s23 =	simm.s32 $0x40;
	s24 =	simm.s32 $0x80;
	v15 =	vsel vm0, $0x3F800000, v3;
	[tilespmem:v12+s22+$0x0 ss:$0x1] =	vst.idx.msk $0xffff, v17  }
.LBB2_19:
0x130: {  	p0 =	sne.s32 s24, $0x1C0  }
0x131: {  	[tilespmem:v14+s22+$0x0 ss:$0x1] =	vst.idx.msk $0xffff, v15;
	s22 =	sshra.s32 s23, $0x2;
	s23 =	smov.u32 s24;
	s24 =	sadd.s32 $0x40, s24  }
0x132: {  	v15 =	vld.idx.msk [tilespmem:v13+s22+$0x0 ss:$0x1], $0xffff  }
0x133: {  	v16 =	vld.idx.msk [tilespmem:v13+s22+$0xFFFFFC00 ss:$0x1], $0xffff;
	_ =	sdelay $0x4  }
0x134: {  	v15 =	vadd.f32 v15, v9  }
0x135: {  	v16 =	vadd.f32 v16, v8  }
0x136: {  	v15 =	vadd.f32 v7, v15  }
0x137: {  	v16 =	vadd.f32 v5, v16  }
0x138: {  	v15 =	vmul.f32 $1.023000000e+03, v15  }
0x139: {  	v16 =	vmul.f32 $1.023000000e+03, v16  }
0x13a: {  	v17 =	vtrunc.f32 v15;
	vm0 =	vge.f32 v15, $0.0e+00  }
0x13b: {  	v18 =	vtrunc.f32 v16;
	v17 =	vcvt.f32.s32 v17;
	vm1 =	vge.f32 v16, $0.0e+00  }
0x13c: {  	vm2 =	vlt.f32 v16, $1.023000000e+03;
	v18 =	vcvt.f32.s32 v18;
	vm0 =	vmand vm1, vm0  }
0x13d: {  	vm1 =	vgt.s32 v17, $0x0;
	vm0 =	vmand vm0, vm2;
	vm2 =	vlt.f32 v15, $1.023000000e+03  }
0x13e: {  	vm3 =	vgt.s32 v18, $0x0;
	v17 =	vnsel vm1, $0x0, v17;
	vm0 =	vmand vm2, vm0  }
0x13f: {  	v18 =	vnsel vm3, $0x0, v18;
	v17 =	vmin.u32 v17, $0x3FE  }
0x140: {  	v18 =	vmin.u32 v18, $0x3FE;
	v19 =	vcvt.s32.f32 v17;
	v17 =	vshll.u32 v17, $0xA  }
0x141: {  	v20 =	vcvt.s32.f32 v18;
	v17 =	vor.u32 v18, v17  }
0x142: {  	v18 =	vsub.f32 v15, v19;
	v15 =	vadd.s32 $0x1, v17;
	[tilespmem:v10+s22+$0x0 ss:$0x1] =	vst.idx.msk $0xffff, v17  }
.Ltmp8:
0x143: {  	v16 =	vsub.f32 v16, v20;
	[tilespmem:v10+s22+$0x400 ss:$0x1] =	vst.idx.msk $0xffff, v15;
	v15 =	vadd.s32 $0x400, v17;
	(pc) =	sbr.rel @p0 .LBB2_19-.Ltmp8, $4  }
0x144: {  	[tilespmem:v10+s22+$0x800 ss:$0x1] =	vst.idx.msk $0xffff, v15;
	v15 =	vadd.s32 $0x401, v17  }
0x145: {  	[tilespmem:v10+s22+$0xC00 ss:$0x1] =	vst.idx.msk $0xffff, v15  }
0x146: {  	[tilespmem:v11+s22+$0x0 ss:$0x1] =	vst.idx.msk $0xffff, v16  }
0x147: {  	v15 =	vsel vm0, $0x3F800000, v3;
	[tilespmem:v12+s22+$0x0 ss:$0x1] =	vst.idx.msk $0xffff, v18  }
0x148: {  	_ =	sdelay $0x3  }
0x149: {  	s23 =	sshra.s32 s23, $0x2;
	[tilespmem:v14+s22+$0x0 ss:$0x1] =	vst.idx.msk $0xffff, v15  }
0x14a: {  	v15 =	vld.idx.msk [tilespmem:v13+s23+$0x0 ss:$0x1], $0xffff  }
0x14b: {  	v61 =	vld.idx.msk [tilespmem:v13+s23+$0xFFFFFC00 ss:$0x1], $0xffff;
	_ =	sdelay $0x3  }
0x14c: {  	v15 =	vadd.f32 v15, v9  }
0x14d: {  	v13 =	vadd.f32 v61, v8  }
0x14e: {  	v15 =	vadd.f32 v7, v15  }
0x14f: {  	v13 =	vadd.f32 v5, v13  }
0x150: {  	v15 =	vmul.f32 $1.023000000e+03, v15  }
0x151: {  	v13 =	vmul.f32 $1.023000000e+03, v13  }
0x152: {  	v16 =	vtrunc.f32 v15  }
0x153: {  	v17 =	vtrunc.f32 v13;
	v16 =	vcvt.f32.s32 v16  }
0x154: {  	v17 =	vcvt.f32.s32 v17  }
0x155: {  	vm0 =	vgt.s32 v16, $0x0  }
0x156: {  	vm1 =	vgt.s32 v17, $0x0;
	v16 =	vnsel vm0, $0x0, v16  }
0x157: {  	v17 =	vnsel vm1, $0x0, v17;
	v16 =	vmin.u32 v16, $0x3FE  }
0x158: {  	v17 =	vmin.u32 v17, $0x3FE;
	v18 =	vshll.u32 v16, $0xA  }
0x159: {  	vm12 =	vge.f32 v15, $0.0e+00;
	v18 =	vor.u32 v17, v18  }
0x15a: {  	s16 =	sadd.s32 $0x1, s16;
	vm13 =	vge.f32 v13, $0.0e+00;
	v17 =	vcvt.s32.f32 v17;
	[tilespmem:v10+s23+$0x0 ss:$0x1] =	vst.idx.msk $0xffff, v18;
	v19 =	vadd.s32 $0x1, v18  }
0x15b: {  	p0 =	sne.s32 s16, $0x8;
	vm14 =	vlt.f32 v13, $1.023000000e+03;
	v16 =	vcvt.s32.f32 v16;
	v62 =	vadd.s32 $0x400, v18;
	[tilespmem:v10+s23+$0x400 ss:$0x1] =	vst.idx.msk $0xffff, v19  }
.Ltmp9:
0x15c: {  	vm0 =	vmand vm13, vm12;
	v63 =	vadd.s32 $0x401, v18;
	v13 =	vsub.f32 v13, v17;
	[tilespmem:v10+s23+$0x800 ss:$0x1] =	vst.idx.msk $0xffff, v62;
	(pc) =	sbr.rel @p0 .LBB2_18-.Ltmp9, $4  }
0x15d: {  	vm15 =	vlt.f32 v15, $1.023000000e+03;
	vm0 =	vmand vm0, vm14;
	v15 =	vsub.f32 v15, v16;
	[tilespmem:v10+s23+$0xC00 ss:$0x1] =	vst.idx.msk $0xffff, v63  }
0x15e: {  	vm0 =	vmand vm15, vm0;
	[tilespmem:v11+s23+$0x0 ss:$0x1] =	vst.idx.msk $0xffff, v13  }
0x15f: {  	s17 =	sadd.s32 $0x80, s17;
	s18 =	sadd.s32 $0x80, s18;
	v10 =	vsel vm0, $0x3F800000, v3;
	[tilespmem:v12+s23+$0x0 ss:$0x1] =	vst.idx.msk $0xffff, v15  }
0x160: {  	s19 =	sadd.s32 $0x80, s19;
	s20 =	sadd.s32 $0x80, s20;
	s21 =	sadd.s32 $0x80, s21;
	[tilespmem:v14+s23+$0x0 ss:$0x1] =	vst.idx.msk $0xffff, v10  }
0x161: {  	s16 =	simm.s32 $0x14870  }
0x162: {  	s17 =	simm.s32 $0x15000;
	v8 =	vld [tilespmem:s16+$0xFFFFF390]  }
0x163: {  	v9 =	vld [tilespmem:s17+$0x0]  }
0x164: {  	v10 =	vld [tilespmem:s16+$0xFFFFFF90]  }
0x165: {  	v11 =	vld [tilespmem:s16+$0xFFFFF790]  }
0x166: {  	v12 =	vld [tilespmem:s16+$0xFFFFFB90]  }
0x167: {  	s25 =	simm.s32 $0x15800  }
0x168: {  	v13 =	vld [tilespmem:s25+$0x0];
	v14 =	vsub.f32 $1.000000000e+00, v9;
	_ =	sdelay $0x1  }
0x169: {  	v11 =	vmul.f32 v9, v11;
	v8 =	vmul.f32 v14, v8  }
0x16a: {  	v9 =	vmul.f32 v9, v10;
	v10 =	vmul.f32 v14, v12  }
0x16b: {  	v8 =	vadd.f32 v8, v11  }
0x16c: {  	s17 =	simm.s32 $0x16000;
	v9 =	vadd.f32 v10, v9;
	v10 =	vsub.f32 $1.000000000e+00, v13  }
0x16d: {  	v11 =	vld [tilespmem:s17+$0x0]  }
0x16e: {  	v9 =	vmul.f32 v9, v13;
	v8 =	vmul.f32 v8, v10;
	_ =	sdelay $0x1  }
0x16f: {  	v8 =	vadd.f32 v9, v8;
	_ =	sdelay $0x1  }
0x170: {  	v8 =	vmul.f32 v8, v11  }
0x171: {  	s18 =	simm.s32 $0x16440  }
0x172: {  	s19 =	simm.s32 $0x0;
	[tilespmem:s18+$0xFFFFFFC0] =	vst v8  }
0x173: {  	s20 =	sor.u32 $0x410, s19;
	v8 =	vld [tilespmem:s16+$0xFFFFF3A0]  }
0x174: {  	v9 =	vld [tilespmem:s20+$0x14C00]  }
0x175: {  	v11 =	vld [tilespmem:s16+$0xFFFFFFA0]  }
0x176: {  	v40 =	vld [tilespmem:s16+$0xFFFFF7A0]  }
0x177: {  	v10 =	vld [tilespmem:s16+$0xFFFFFBA0]  }
0x178: {  	v41 =	vld [tilespmem:s20+$0x15400];
	_ =	sdelay $0x1  }
0x179: {  	v42 =	vsub.f32 $1.000000000e+00, v9  }
0x17a: {  	v11 =	vmul.f32 v9, v11;
	v9 =	vmul.f32 v9, v40  }
0x17b: {  	v8 =	vmul.f32 v42, v8;
	v10 =	vmul.f32 v42, v10  }
0x17c: {  	v43 =	vsub.f32 $1.000000000e+00, v41  }
0x17d: {  	v10 =	vadd.f32 v10, v11;
	v8 =	vadd.f32 v8, v9  }
0x17e: {  	v9 =	vld [tilespmem:s20+$0x15C00]  }
0x17f: {  	v10 =	vmul.f32 v10, v41;
	v8 =	vmul.f32 v8, v43;
	_ =	sdelay $0x1  }
0x180: {  	v8 =	vadd.f32 v10, v8;
	_ =	sdelay $0x1  }
0x181: {  	v8 =	vmul.f32 v8, v9;
	_ =	sdelay $0x1  }
0x182: {  	[tilespmem:s18+$0xFFFFFFD0] =	vst v8  }
0x183: {  	v8 =	vld [tilespmem:s16+$0xFFFFFBB0]  }
0x184: {  	s26 =	sor.u32 $0x420, s19;
	v9 =	vld [tilespmem:s16+$0xFFFFF7B0]  }
0x185: {  	v10 =	vld [tilespmem:s26+$0x14C00]  }
0x186: {  	v11 =	vld [tilespmem:s16+$0xFFFFFFB0]  }
0x187: {  	v44 =	vld [tilespmem:s16+$0xFFFFF3B0]  }
0x188: {  	v45 =	vld [tilespmem:s26+$0x15400];
	_ =	sdelay $0x1  }
0x189: {  	v46 =	vsub.f32 $1.000000000e+00, v10  }
0x18a: {  	v9 =	vmul.f32 v10, v9;
	v10 =	vmul.f32 v10, v11  }
0x18b: {  	v11 =	vmul.f32 v46, v44;
	v8 =	vmul.f32 v46, v8  }
0x18c: {  	v47 =	vsub.f32 $1.000000000e+00, v45  }
0x18d: {  	v9 =	vadd.f32 v11, v9;
	v8 =	vadd.f32 v8, v10  }
0x18e: {  	v10 =	vld [tilespmem:s26+$0x15C00]  }
0x18f: {  	v9 =	vmul.f32 v9, v47;
	v8 =	vmul.f32 v8, v45;
	_ =	sdelay $0x1  }
0x190: {  	v8 =	vadd.f32 v8, v9;
	_ =	sdelay $0x1  }
0x191: {  	v8 =	vmul.f32 v8, v10;
	_ =	sdelay $0x1  }
0x192: {  	[tilespmem:s18+$0xFFFFFFE0] =	vst v8  }
0x193: {  	v8 =	vld [tilespmem:s16+$0xFFFFF7C0]  }
0x194: {  	s28 =	sor.u32 $0x430, s19;
	v9 =	vld [tilespmem:s16+$0xFFFFFFC0]  }
0x195: {  	v10 =	vld [tilespmem:s28+$0x14C00]  }
0x196: {  	v11 =	vld [tilespmem:s16+$0xFFFFF3C0]  }
0x197: {  	v48 =	vld [tilespmem:s16+$0xFFFFFBC0]  }
0x198: {  	v49 =	vld [tilespmem:s28+$0x15400];
	_ =	sdelay $0x1  }
0x199: {  	v50 =	vsub.f32 $1.000000000e+00, v10  }
0x19a: {  	v8 =	vmul.f32 v10, v8;
	v9 =	vmul.f32 v10, v9  }
0x19b: {  	v10 =	vmul.f32 v50, v11;
	v11 =	vmul.f32 v50, v48  }
0x19c: {  	v51 =	vsub.f32 $1.000000000e+00, v49  }
0x19d: {  	v8 =	vadd.f32 v10, v8;
	v9 =	vadd.f32 v11, v9  }
0x19e: {  	v10 =	vld [tilespmem:s28+$0x15C00]  }
0x19f: {  	v8 =	vmul.f32 v8, v51;
	v9 =	vmul.f32 v9, v49;
	_ =	sdelay $0x1  }
0x1a0: {  	v8 =	vadd.f32 v9, v8;
	_ =	sdelay $0x1  }
0x1a1: {  	v8 =	vmul.f32 v8, v10;
	_ =	sdelay $0x1  }
0x1a2: {  	[tilespmem:s18+$0xFFFFFFF0] =	vst v8  }
0x1a3: {  	v8 =	vld [tilespmem:s16+$0xFFFFFFD0]  }
0x1a4: {  	s29 =	sor.u32 $0x440, s19;
	v9 =	vld [tilespmem:s16+$0xFFFFF7D0]  }
0x1a5: {  	v10 =	vld [tilespmem:s29+$0x14C00]  }
0x1a6: {  	v11 =	vld [tilespmem:s16+$0xFFFFF3D0]  }
0x1a7: {  	v52 =	vld [tilespmem:s16+$0xFFFFFBD0]  }
0x1a8: {  	v53 =	vld [tilespmem:s29+$0x15400];
	_ =	sdelay $0x1  }
0x1a9: {  	v54 =	vsub.f32 $1.000000000e+00, v10  }
0x1aa: {  	v9 =	vmul.f32 v10, v9;
	v8 =	vmul.f32 v10, v8  }
0x1ab: {  	v10 =	vmul.f32 v54, v11;
	v11 =	vmul.f32 v54, v52  }
0x1ac: {  	v55 =	vsub.f32 $1.000000000e+00, v53  }
0x1ad: {  	v9 =	vadd.f32 v10, v9;
	v8 =	vadd.f32 v11, v8  }
0x1ae: {  	v10 =	vld [tilespmem:s29+$0x15C00]  }
0x1af: {  	v9 =	vmul.f32 v9, v55;
	v8 =	vmul.f32 v8, v53;
	_ =	sdelay $0x1  }
0x1b0: {  	v8 =	vadd.f32 v8, v9;
	_ =	sdelay $0x1  }
0x1b1: {  	v8 =	vmul.f32 v8, v10;
	_ =	sdelay $0x1  }
0x1b2: {  	[tilespmem:s18+$0x0] =	vst v8  }
0x1b3: {  	v8 =	vld [tilespmem:s16+$0xFFFFF7E0]  }
0x1b4: {  	s30 =	sor.u32 $0x450, s19;
	v9 =	vld [tilespmem:s16+$0xFFFFFBE0]  }
0x1b5: {  	v10 =	vld [tilespmem:s30+$0x14C00]  }
0x1b6: {  	v11 =	vld [tilespmem:s16+$0xFFFFFFE0]  }
0x1b7: {  	v56 =	vld [tilespmem:s16+$0xFFFFF3E0]  }
0x1b8: {  	v57 =	vld [tilespmem:s30+$0x15400];
	_ =	sdelay $0x1  }
0x1b9: {  	v58 =	vsub.f32 $1.000000000e+00, v10  }
0x1ba: {  	v8 =	vmul.f32 v10, v8;
	v10 =	vmul.f32 v10, v11  }
0x1bb: {  	v11 =	vmul.f32 v58, v56;
	v9 =	vmul.f32 v58, v9  }
0x1bc: {  	v59 =	vsub.f32 $1.000000000e+00, v57  }
0x1bd: {  	v8 =	vadd.f32 v11, v8;
	v9 =	vadd.f32 v9, v10  }
0x1be: {  	v10 =	vld [tilespmem:s30+$0x15C00]  }
0x1bf: {  	v8 =	vmul.f32 v8, v59;
	v9 =	vmul.f32 v9, v57;
	_ =	sdelay $0x1  }
0x1c0: {  	v8 =	vadd.f32 v9, v8;
	_ =	sdelay $0x1  }
0x1c1: {  	v8 =	vmul.f32 v8, v10;
	_ =	sdelay $0x1  }
0x1c2: {  	[tilespmem:s18+$0x10] =	vst v8  }
0x1c3: {  	v8 =	vld [tilespmem:s16+$0xFFFFFFF0]  }
0x1c4: {  	s31 =	sor.u32 $0x460, s19;
	v9 =	vld [tilespmem:s16+$0xFFFFFBF0]  }
0x1c5: {  	v10 =	vld [tilespmem:s31+$0x14C00]  }
0x1c6: {  	v11 =	vld [tilespmem:s16+$0xFFFFF7F0]  }
0x1c7: {  	v60 =	vld [tilespmem:s16+$0xFFFFF3F0]  }
0x1c8: {  	v61 =	vld [tilespmem:s31+$0x15400];
	_ =	sdelay $0x1  }
0x1c9: {  	v62 =	vsub.f32 $1.000000000e+00, v10  }
0x1ca: {  	v8 =	vmul.f32 v10, v8;
	v10 =	vmul.f32 v10, v11  }
0x1cb: {  	v11 =	vmul.f32 v62, v60;
	v9 =	vmul.f32 v62, v9  }
0x1cc: {  	v63 =	vsub.f32 $1.000000000e+00, v61  }
0x1cd: {  	v10 =	vadd.f32 v11, v10;
	v8 =	vadd.f32 v9, v8  }
0x1ce: {  	v9 =	vld [tilespmem:s31+$0x15C00]  }
0x1cf: {  	v10 =	vmul.f32 v10, v63;
	v8 =	vmul.f32 v8, v61;
	_ =	sdelay $0x1  }
0x1d0: {  	v8 =	vadd.f32 v8, v10;
	_ =	sdelay $0x1  }
0x1d1: {  	v8 =	vmul.f32 v8, v9;
	_ =	sdelay $0x1  }
0x1d2: {  	s21 =	simm.s32 $0x15880;
	s22 =	simm.s32 $0x15080;
	s23 =	simm.s32 $0x14870;
	[tilespmem:s18+$0x20] =	vst v8  }
0x1d3: {  	s25 =	sor.u32 $0x470, s19;
	s19 =	simm.s32 $0x16440;
	s20 =	simm.s32 $0x80;
	v8 =	vld [tilespmem:s16+$0x0]  }
.LBB2_22:
0x1d4: {  	v9 =	vld [tilespmem:s16+$0xFFFFFC00];
	s23 =	sadd.s32 $0x80, s23;
	s18 =	sadd.s32 $0x80, s18;
	s17 =	sadd.s32 $0x80, s17  }
0x1d5: {  	p0 =	sne.s32 s20, $0x380;
	s24 =	smov.u32 s20;
	s20 =	sadd.s32 $0x80, s20;
	v10 =	vld [tilespmem:s25+$0x14C00]  }
0x1d6: {  	v11 =	vld [tilespmem:s16+$0xFFFFF800]  }
0x1d7: {  	v12 =	vld [tilespmem:s16+$0xFFFFF400];
	s16 =	smov.u32 s23  }
0x1d8: {  	v13 =	vld [tilespmem:s25+$0x15400]  }
0x1d9: {  	v14 =	vld [tilespmem:s25+$0x15C00]  }
0x1da: {  	v15 =	vsub.f32 $1.000000000e+00, v10  }
0x1db: {  	v8 =	vmul.f32 v10, v8;
	v11 =	vmul.f32 v10, v11  }
0x1dc: {  	v10 =	vmul.f32 v15, v12;
	v9 =	vmul.f32 v15, v9  }
0x1dd: {  	v12 =	vsub.f32 $1.000000000e+00, v13  }
0x1de: {  	v10 =	vadd.f32 v10, v11;
	v8 =	vadd.f32 v9, v8;
	_ =	sdelay $0x1  }
0x1df: {  	v9 =	vmul.f32 v10, v12;
	v8 =	vmul.f32 v8, v13;
	_ =	sdelay $0x1  }
0x1e0: {  	v8 =	vadd.f32 v8, v9;
	_ =	sdelay $0x1  }
0x1e1: {  	v8 =	vmul.f32 v8, v14;
	_ =	sdelay $0x1  }
0x1e2: {  	[tilespmem:s19+$0x30] =	vst v8;
	s19 =	smov.u32 s18  }
0x1e3: {  	v8 =	vld [tilespmem:s23+$0xFFFFF390]  }
0x1e4: {  	v9 =	vld [tilespmem:s23+$0xFFFFFF90]  }
0x1e5: {  	v10 =	vld [tilespmem:s22+$0x0]  }
0x1e6: {  	v11 =	vld [tilespmem:s23+$0xFFFFF790]  }
0x1e7: {  	v12 =	vld [tilespmem:s23+$0xFFFFFB90];
	_ =	sdelay $0x1  }
0x1e8: {  	v13 =	vld [tilespmem:s21+$0x0]  }
0x1e9: {  	v14 =	vsub.f32 $1.000000000e+00, v10  }
0x1ea: {  	v9 =	vmul.f32 v10, v9;
	v11 =	vmul.f32 v10, v11  }
0x1eb: {  	v8 =	vmul.f32 v14, v8;
	v10 =	vmul.f32 v14, v12;
	_ =	sdelay $0x1  }
0x1ec: {  	v8 =	vadd.f32 v8, v11;
	v9 =	vadd.f32 v10, v9  }
0x1ed: {  	v10 =	vsub.f32 $1.000000000e+00, v13  }
0x1ee: {  	v11 =	vld [tilespmem:s17+$0x0];
	v9 =	vmul.f32 v9, v13  }
0x1ef: {  	v8 =	vmul.f32 v8, v10;
	_ =	sdelay $0x1  }
0x1f0: {  	v8 =	vadd.f32 v9, v8;
	_ =	sdelay $0x1  }
0x1f1: {  	v8 =	vmul.f32 v8, v11;
	_ =	sdelay $0x1  }
0x1f2: {  	[tilespmem:s18+$0xFFFFFFC0] =	vst v8  }
0x1f3: {  	v8 =	vld [tilespmem:s23+$0xFFFFF3A0]  }
0x1f4: {  	s25 =	sor.u32 $0x410, s24;
	v9 =	vld [tilespmem:s23+$0xFFFFFBA0]  }
0x1f5: {  	v10 =	vld [tilespmem:s25+$0x14C00]  }
0x1f6: {  	v11 =	vld [tilespmem:s23+$0xFFFFFFA0]  }
0x1f7: {  	v12 =	vld [tilespmem:s23+$0xFFFFF7A0]  }
0x1f8: {  	v13 =	vld [tilespmem:s25+$0x15400];
	_ =	sdelay $0x1  }
0x1f9: {  	v14 =	vsub.f32 $1.000000000e+00, v10  }
0x1fa: {  	v11 =	vmul.f32 v10, v11  }
0x1fb: {  	v8 =	vmul.f32 v14, v8;
	v9 =	vmul.f32 v14, v9  }
0x1fc: {  	v10 =	vmul.f32 v10, v12;
	v14 =	vsub.f32 $1.000000000e+00, v13  }
0x1fd: {  	v9 =	vadd.f32 v9, v11  }
0x1fe: {  	v8 =	vadd.f32 v8, v10  }
0x1ff: {  	v10 =	vld [tilespmem:s25+$0x15C00];
	v9 =	vmul.f32 v9, v13  }
0x200: {  	v8 =	vmul.f32 v8, v14;
	_ =	sdelay $0x1  }
0x201: {  	v8 =	vadd.f32 v9, v8;
	_ =	sdelay $0x1  }
0x202: {  	v8 =	vmul.f32 v8, v10;
	_ =	sdelay $0x1  }
0x203: {  	[tilespmem:s18+$0xFFFFFFD0] =	vst v8  }
0x204: {  	v8 =	vld [tilespmem:s23+$0xFFFFFBB0]  }
0x205: {  	s25 =	sor.u32 $0x420, s24;
	v9 =	vld [tilespmem:s23+$0xFFFFF7B0]  }
0x206: {  	v10 =	vld [tilespmem:s25+$0x14C00]  }
0x207: {  	v11 =	vld [tilespmem:s23+$0xFFFFFFB0]  }
0x208: {  	v12 =	vld [tilespmem:s23+$0xFFFFF3B0]  }
0x209: {  	v13 =	vld [tilespmem:s25+$0x15400];
	_ =	sdelay $0x1  }
0x20a: {  	v14 =	vsub.f32 $1.000000000e+00, v10;
	v9 =	vmul.f32 v10, v9  }
0x20b: {  	v10 =	vmul.f32 v10, v11  }
0x20c: {  	v11 =	vmul.f32 v14, v12;
	v8 =	vmul.f32 v14, v8  }
0x20d: {  	v12 =	vsub.f32 $1.000000000e+00, v13  }
0x20e: {  	v9 =	vadd.f32 v11, v9;
	v8 =	vadd.f32 v8, v10  }
0x20f: {  	v10 =	vld [tilespmem:s25+$0x15C00]  }
0x210: {  	v9 =	vmul.f32 v9, v12;
	v8 =	vmul.f32 v8, v13;
	_ =	sdelay $0x1  }
0x211: {  	v8 =	vadd.f32 v8, v9;
	_ =	sdelay $0x1  }
0x212: {  	v8 =	vmul.f32 v8, v10;
	_ =	sdelay $0x1  }
0x213: {  	s25 =	sor.u32 $0x430, s24;
	[tilespmem:s18+$0xFFFFFFE0] =	vst v8  }
0x214: {  	v8 =	vld [tilespmem:s25+$0x15400]  }
0x215: {  	v9 =	vld [tilespmem:s23+$0xFFFFF7C0]  }
0x216: {  	v10 =	vld [tilespmem:s23+$0xFFFFFFC0]  }
0x217: {  	v11 =	vld [tilespmem:s25+$0x14C00]  }
0x218: {  	v12 =	vld [tilespmem:s23+$0xFFFFF3C0]  }
0x219: {  	v13 =	vld [tilespmem:s23+$0xFFFFFBC0];
	_ =	sdelay $0x2  }
0x21a: {  	v15 =	vsub.f32 $1.000000000e+00, v8;
	v14 =	vsub.f32 $1.000000000e+00, v11;
	v9 =	vmul.f32 v11, v9  }
0x21b: {  	v10 =	vmul.f32 v11, v10  }
0x21c: {  	v11 =	vmul.f32 v14, v12;
	v12 =	vmul.f32 v14, v13;
	_ =	sdelay $0x1  }
0x21d: {  	v9 =	vadd.f32 v11, v9;
	v10 =	vadd.f32 v12, v10  }
0x21e: {  	v11 =	vld [tilespmem:s25+$0x15C00]  }
0x21f: {  	v9 =	vmul.f32 v9, v15;
	v8 =	vmul.f32 v10, v8;
	_ =	sdelay $0x1  }
0x220: {  	v8 =	vadd.f32 v8, v9;
	_ =	sdelay $0x1  }
0x221: {  	v8 =	vmul.f32 v8, v11;
	_ =	sdelay $0x1  }
0x222: {  	s25 =	sor.u32 $0x440, s24;
	[tilespmem:s18+$0xFFFFFFF0] =	vst v8  }
0x223: {  	v8 =	vld [tilespmem:s25+$0x15400]  }
0x224: {  	v9 =	vld [tilespmem:s23+$0xFFFFFFD0]  }
0x225: {  	v10 =	vld [tilespmem:s23+$0xFFFFF7D0]  }
0x226: {  	v11 =	vld [tilespmem:s25+$0x14C00]  }
0x227: {  	v12 =	vld [tilespmem:s23+$0xFFFFF3D0]  }
0x228: {  	v13 =	vld [tilespmem:s23+$0xFFFFFBD0];
	_ =	sdelay $0x2  }
0x229: {  	v15 =	vsub.f32 $1.000000000e+00, v8;
	v14 =	vsub.f32 $1.000000000e+00, v11;
	v10 =	vmul.f32 v11, v10  }
0x22a: {  	v9 =	vmul.f32 v11, v9  }
0x22b: {  	v11 =	vmul.f32 v14, v12;
	v12 =	vmul.f32 v14, v13;
	_ =	sdelay $0x1  }
0x22c: {  	v10 =	vadd.f32 v11, v10;
	v9 =	vadd.f32 v12, v9  }
0x22d: {  	v11 =	vld [tilespmem:s25+$0x15C00]  }
0x22e: {  	v10 =	vmul.f32 v10, v15;
	v8 =	vmul.f32 v9, v8;
	_ =	sdelay $0x1  }
0x22f: {  	v8 =	vadd.f32 v8, v10;
	_ =	sdelay $0x1  }
0x230: {  	v8 =	vmul.f32 v8, v11;
	_ =	sdelay $0x1  }
0x231: {  	[tilespmem:s18+$0x0] =	vst v8  }
0x232: {  	v8 =	vld [tilespmem:s23+$0xFFFFF7E0]  }
0x233: {  	s25 =	sor.u32 $0x450, s24;
	v9 =	vld [tilespmem:s23+$0xFFFFFBE0]  }
0x234: {  	v10 =	vld [tilespmem:s25+$0x14C00]  }
0x235: {  	v11 =	vld [tilespmem:s23+$0xFFFFFFE0]  }
0x236: {  	v12 =	vld [tilespmem:s23+$0xFFFFF3E0]  }
0x237: {  	v13 =	vld [tilespmem:s25+$0x15400]  }
0x238: {  	v14 =	vld [tilespmem:s25+$0x15C00]  }
0x239: {  	v15 =	vsub.f32 $1.000000000e+00, v10  }
0x23a: {  	v8 =	vmul.f32 v10, v8;
	v10 =	vmul.f32 v10, v11  }
0x23b: {  	v11 =	vmul.f32 v15, v12;
	v9 =	vmul.f32 v15, v9  }
0x23c: {  	v12 =	vsub.f32 $1.000000000e+00, v13  }
0x23d: {  	v8 =	vadd.f32 v11, v8;
	v9 =	vadd.f32 v9, v10;
	_ =	sdelay $0x1  }
0x23e: {  	v8 =	vmul.f32 v8, v12;
	v9 =	vmul.f32 v9, v13;
	_ =	sdelay $0x1  }
0x23f: {  	v8 =	vadd.f32 v9, v8;
	_ =	sdelay $0x1  }
0x240: {  	v8 =	vmul.f32 v8, v14;
	_ =	sdelay $0x1  }
0x241: {  	[tilespmem:s18+$0x10] =	vst v8  }
0x242: {  	v8 =	vld [tilespmem:s23+$0xFFFFFFF0]  }
0x243: {  	s25 =	sor.u32 $0x460, s24;
	v9 =	vld [tilespmem:s23+$0xFFFFFBF0]  }
0x244: {  	v10 =	vld [tilespmem:s25+$0x14C00]  }
0x245: {  	v11 =	vld [tilespmem:s23+$0xFFFFF7F0]  }
0x246: {  	v12 =	vld [tilespmem:s23+$0xFFFFF3F0]  }
0x247: {  	v13 =	vld [tilespmem:s25+$0x15400]  }
0x248: {  	v14 =	vld [tilespmem:s25+$0x15C00]  }
0x249: {  	v15 =	vsub.f32 $1.000000000e+00, v10;
	v8 =	vmul.f32 v10, v8  }
0x24a: {  	v10 =	vmul.f32 v10, v11  }
0x24b: {  	v11 =	vmul.f32 v15, v12;
	v9 =	vmul.f32 v15, v9  }
0x24c: {  	v12 =	vsub.f32 $1.000000000e+00, v13  }
0x24d: {  	v10 =	vadd.f32 v11, v10;
	v8 =	vadd.f32 v9, v8;
	_ =	sdelay $0x1  }
0x24e: {  	v9 =	vmul.f32 v10, v12;
	v8 =	vmul.f32 v8, v13;
	_ =	sdelay $0x1  }
0x24f: {  	v8 =	vadd.f32 v8, v9  }
.Ltmp10:
0x250: {  	(pc) =	sbr.rel @p0 .LBB2_22-.Ltmp10, $3  }
0x251: {  	v8 =	vmul.f32 v8, v14;
	_ =	sdelay $0x1  }
0x252: {  	[tilespmem:s18+$0x20] =	vst v8  }
0x253: {  	s22 =	sadd.s32 $0x80, s22;
	s21 =	sadd.s32 $0x80, s21;
	s25 =	sor.u32 $0x470, s24;
	v8 =	vld [tilespmem:s23+$0x0]  }
0x254: {  	v9 =	vld [tilespmem:s16+$0xFFFFFC00]  }
0x255: {  	v10 =	vld [tilespmem:s25+$0x14C00]  }
0x256: {  	v11 =	vld [tilespmem:s16+$0xFFFFF800]  }
0x257: {  	v12 =	vld [tilespmem:s16+$0xFFFFF400]  }
0x258: {  	v13 =	vld [tilespmem:s25+$0x15400];
	_ =	sdelay $0x1  }
0x259: {  	v14 =	vsub.f32 $1.000000000e+00, v10  }
0x25a: {  	v11 =	vmul.f32 v10, v11;
	v8 =	vmul.f32 v10, v8  }
0x25b: {  	v61 =	vmul.f32 v14, v12;
	v9 =	vmul.f32 v14, v9  }
0x25c: {  	v62 =	vsub.f32 $1.000000000e+00, v13  }
0x25d: {  	v10 =	vadd.f32 v61, v11;
	v8 =	vadd.f32 v9, v8  }
0x25e: {  	v63 =	vld [tilespmem:s25+$0x15C00]  }
0x25f: {  	v10 =	vmul.f32 v10, v62;
	v8 =	vmul.f32 v8, v13;
	_ =	sdelay $0x1  }
0x260: {  	v8 =	vadd.f32 v8, v10;
	_ =	sdelay $0x1  }
0x261: {  	s15 =	sshll.u32 s15, $0x7;
	s14 =	sadd.s32 $0x1, s14;
	v8 =	vmul.f32 v8, v63  }
0x262: {  	s15 =	sand.u32 $0x1FFFFF80, s15;
	p0 =	sne.s32 s14, $0x10  }
.Ltmp11:
0x263: {  	s15 =	sadd.s32 s2, s15;
	[tilespmem:s19+$0x30] =	vst v8;
	(pc) =	sbr.rel @p0 .LBB2_9-.Ltmp11, $4  }
0x264: {  	[hbm4b:s15+s3] =	stream.linear.scatter [tilespmem:s12], [sflag:$0x1], $0x400, $0x38;
	[tilespmem:$0x16800] =	vst v63  }
0x265: {  	_ =	swait.ge [sflag:s10], $0x400  }
0x266: {  	[sflag:s10] =	ssyncset.done $0x0  }
0x267: {  	[sflag:s10] =	ssyncadd.s32 $0xFFFFFC00  }
0x268: {  	s13 =	sadd.s32 $0x1, s13  }
0x269: {  	p0 =	sne.s32 s13, s8  }
.Ltmp12:
0x26a: {  	_ = 	snop;
	(pc) =	sbr.rel @p0 .LBB2_1-.Ltmp12, $1  }
0x26b: {  	_ =	sdelay $0x3  }
0x26c: {  	_ =	sfence.sel $0x180000  }
0x26d: {  	[bflag:$0x0] =	sbarrier.arrive $0xFFFF  }
0x26e: {  	p0 =	sne.s32 s4, $0x0;
	_ =	strace $0x90000047  }
0x26f: {  	s0 =	sadd.s32 @!p0 $0x100000, s0;
	[bflag:$0x2] =	sbarrier.arrive $0xFFFF  }
0x270: {  	[sflag:s0] =	ssyncadd.tile.s32 @!p0 $0x1;
	_ =	shalt  }
.Lfunc_end2:
_tile_overlayer_lowered:
.L_overlay_start_2:
0x271: {  	(tag) =	ssettag $0x2  }
0x272: {  	s0 =	rddreg [dreg:$0x0];
	s2 =	stileid.u32  }
0x273: {  	s1 =	rddreg [dreg:$0x1];
	p0 =	sne.s32 s2, $0x0  }
0x274: {  	s3 =	rddreg [dreg:$0x2];
	[bflag:$0x3] =	sbarrier.arrive $0xFFFF;
	s2 =	simm.s32 @!p0 $0x1C01  }
0x275: {  	[timem:s3], [sflag:s2] =	dma.local @!p0 [hbm:s0], s1  }
0x276: {  	s0 =	simm.s32 @!p0 $0x1  }
0x277: {  	_ =	swait.ge @!p0 [sflag:s0], s1  }
0x278: {  	s1 =	ssub.s32 @!p0 $0x0, s1;
	[sflag:s0] =	ssyncset.done @!p0 $0x0  }
0x279: {  	[sflag:s0] =	ssyncadd.s32 @!p0 s1  }
0x27a: {  	[bflag:$0x3] =	sbarrier.arrive $0xFFFF  }
0x27b: {  	_ =	shalt  }

</sc_bundles>
